<compile_context>
chip_gen: v7x
topology: tpu7x:2x2x1
jax: 0.10.2.dev20260603
libtpu: 0.0.44.dev20260713+nightly
codegen_flags: <defaults>
</compile_context>

<pallas_src>
import functools

import jax
import jax.numpy as jnp
from jax import lax
from jax.experimental import pallas as pl
from jax.experimental.pallas import tpu as pltpu
from jax.experimental.pallas import tpu_sc as plsc

_SMOOTHING = 0.1
_NUM_CLASSES = 1000
_CONFIDENCE = 1.0 - _SMOOTHING
_LOW = _SMOOTHING / _NUM_CLASSES
_HIGH = _CONFIDENCE + _LOW

_N = 16384
_NW = 32
_RPW = _N // _NW
_CH = 32
_NCH = _RPW // _CH
_L = 16


def _sc_body(labels_hbm, out_hbm, labels_v, buf0, buf1, sem0, sem1):
    c = lax.axis_index("c")
    s = lax.axis_index("s")
    wid = s * 2 + c
    base = wid * _RPW

    pltpu.sync_copy(labels_hbm.at[pl.ds(base, _RPW)], labels_v)

    low16 = jnp.full((_L,), _LOW, jnp.float32)
    high16 = jnp.full((_L,), _HIGH, jnp.float32)
    iota16 = lax.iota(jnp.int32, _L)

    ncs = _NUM_CLASSES // _L + 1

    def _init(r, _):
        for j in range(ncs):
            col = min(j * _L, _NUM_CLASSES - _L)
            buf0[r, pl.ds(col, _L)] = low16
            buf1[r, pl.ds(col, _L)] = low16
        return 0

    lax.fori_loop(0, _CH, _init, 0)

    def _patch(buf, k, val16):
        for g in range(_CH // _L):
            labs = labels_v[pl.ds(k * _CH + g * _L, _L)]
            plsc.store_scatter(buf, [iota16 + g * _L, labs], val16)

    copies = [None, None]
    for k in range(_NCH):
        buf, sem = (buf0, sem0) if k % 2 == 0 else (buf1, sem1)
        if k >= 2:
            copies[k % 2].wait()
            _patch(buf, k - 2, low16)
        _patch(buf, k, high16)
        copies[k % 2] = pltpu.async_copy(
            buf, out_hbm.at[pl.ds(base + k * _CH, _CH)], sem)
    copies[0].wait()
    copies[1].wait()


@functools.partial(jax.jit, static_argnames=())
def kernel(labels):
    run = pl.kernel(
        _sc_body,
        mesh=plsc.VectorSubcoreMesh(core_axis_name="c", subcore_axis_name="s"),
        out_type=jax.ShapeDtypeStruct((_N, _NUM_CLASSES), jnp.float32),
        scratch_types=[
            pltpu.VMEM((_RPW,), jnp.int32),
            pltpu.VMEM((_CH, _NUM_CLASSES), jnp.float32),
            pltpu.VMEM((_CH, _NUM_CLASSES), jnp.float32),
            pltpu.SemaphoreType.DMA,
            pltpu.SemaphoreType.DMA,
        ],
        compiler_params=pltpu.CompilerParams(use_tc_tiling_on_sc=True, needs_layout_passes=False),
    )
    return run(labels)

# --- scband reference (transcript-rebuilt; emitter-appended) ---
"""Pipeline reference for scband-label-smoothing-22677427323314 (READ-ONLY COPY).

The authoritative reference and input builder live on the scoring server;
editing this copy changes nothing except your own understanding.
"""

import jax, jax.numpy as jnp
import numpy as np

SMOOTHING = 0.1
NUM_CLASSES = 1000
CONFIDENCE = 1.0 - SMOOTHING


def setup_inputs(seed: int = 0) -> dict:
    key = jax.random.key(seed)
    labels = jax.random.randint(key, (16384,), 0, NUM_CLASSES, dtype=jnp.int64 if jax.config.jax_enable_x64 else jnp.int32)
    return {"labels": labels}


def reference(labels):
    # Integer label path: scatter-overwrite to build one-hot, then smooth.
    batch_size = labels.shape[0]
    one_hot = jnp.zeros((batch_size, NUM_CLASSES), dtype=jnp.float32)
    one_hot = one_hot.at[jnp.arange(batch_size), labels].set(1.0)
    smooth_labels = one_hot * CONFIDENCE + SMOOTHING / NUM_CLASSES
    return smooth_labels

if __name__ == "__main__":
    import jax
    _d = setup_inputs()
    print(jax.jit(kernel)(*tuple(_d.values())))

</pallas_src>

<mosaic_0001>
#map = affine_map<(d0, d1) -> (0)>
#map1 = affine_map<(d0, d1) -> (0, 0)>
module attributes {stable_mosaic.version = 14 : i64} {
  func.func @_sc_body(%arg0: i32, %arg1: i32, %arg2: memref<16384xi32, #tpu.memory_space<hbm>>, %arg3: memref<16384x1000xf32, #tpu.memory_space<hbm>>, %arg4: memref<512xi32, #tpu.memory_space<vmem>>, %arg5: memref<32x1000xf32, #tpu.memory_space<vmem>>, %arg6: memref<32x1000xf32, #tpu.memory_space<vmem>>, %arg7: memref<!tpu.dma_semaphore, #tpu.memory_space<semaphore_mem>>, %arg8: memref<!tpu.dma_semaphore, #tpu.memory_space<semaphore_mem>>) attributes {dimension_semantics = [#tpu.dimension_semantics<core_parallel>, #tpu.dimension_semantics<subcore_parallel>], iteration_bounds = array<i64: 2, 16>, scalar_prefetch = 0 : i64, scratch_operands = 5 : i64, tpu.core_type = #tpu.core_type<sc_vector_subcore>, window_params = [{transform_indices = #map}, {transform_indices = #map1}]} {
    %mul3A = arith.constant 2 : i32
    %mul3A_0 = arith.muli %arg1, %mul3A : i32
    %add3A = arith.addi %mul3A_0, %arg0 : i32
    %mul3A_1 = arith.constant 512 : i32
    %mul3A_2 = arith.muli %add3A, %mul3A_1 : i32
    "tpu.region"() ({
      %run_scoped3A = tpu.sem_alloc : memref<!tpu.dma_semaphore, #tpu.memory_space<semaphore_mem>>
      %dma_start3A_469 = tpu.memref_slice %arg2[%mul3A_2] : memref<16384xi32, #tpu.memory_space<hbm>> -> memref<512xi32, #tpu.memory_space<hbm>>
      %dma_start3A_470 = tpu.memref_slice %arg2[%mul3A_2] : memref<16384xi32, #tpu.memory_space<hbm>> -> memref<512xi32, #tpu.memory_space<hbm>>
      tpu.enqueue_dma source(%dma_start3A_470 : memref<512xi32, #tpu.memory_space<hbm>>) target(%arg4 : memref<512xi32, #tpu.memory_space<vmem>>) target_semaphore(%run_scoped3A : memref<!tpu.dma_semaphore, #tpu.memory_space<semaphore_mem>>)
      %dma_wait3A_471 = tpu.memref_slice %arg2[%mul3A_2] : memref<16384xi32, #tpu.memory_space<hbm>> -> memref<512xi32, #tpu.memory_space<hbm>>
      %dma_wait3A_472 = tpu.memref_slice %arg2[%mul3A_2] : memref<16384xi32, #tpu.memory_space<hbm>> -> memref<512xi32, #tpu.memory_space<hbm>>
      tpu.wait_dma2 semaphore(%run_scoped3A : memref<!tpu.dma_semaphore, #tpu.memory_space<semaphore_mem>>) src(%dma_wait3A_472 : memref<512xi32, #tpu.memory_space<hbm>>) dst(%arg4 : memref<512xi32, #tpu.memory_space<vmem>>)
      tpu.yield
    }) : () -> ()
    %broadcast_in_dim3A = arith.constant 9.99999974E-5 : f32
    %broadcast_in_dim3A_3 = vector.broadcast %broadcast_in_dim3A : f32 to vector<16xf32>
    %broadcast_in_dim3A_4 = arith.constant 9.001000e-01 : f32
    %broadcast_in_dim3A_5 = vector.broadcast %broadcast_in_dim3A_4 : f32 to vector<16xf32>
    %iota3A = tpu.iota {dimensions = array<i32: 0>} : vector<16xi32>
    %scan3A = arith.constant 0 : i32
    %scan3A_6 = arith.constant 0 : i32
    %scan3A_7 = arith.constant 32 : i32
    %scan3A_8 = arith.addi %scan3A_6, %scan3A_7 : i32
    %scan3A_9 = arith.constant 1 : i32
    %scan3A_10 = scf.for %scan3A_469 = %scan3A_6 to %scan3A_8 step %scan3A_9 iter_args(%scan3A_470 = %scan3A) -> (i32)  : i32 {
      %swap3A = arith.index_cast %scan3A_469 : i32 to index
      %swap3A_471 = arith.constant 0 : index
      %swap3A_472 = tpu.vector_load %arg5[%swap3A, %swap3A_471] {strides = array<i32>} : memref<32x1000xf32, #tpu.memory_space<vmem>>, vector<16xf32>,
      tpu.vector_store %arg5[%swap3A, %swap3A_471], %broadcast_in_dim3A_3 {strides = array<i32>} : memref<32x1000xf32, #tpu.memory_space<vmem>>, vector<16xf32>,
      %swap3A_473 = arith.index_cast %scan3A_469 : i32 to index
      %swap3A_474 = arith.constant 0 : index
      %swap3A_475 = tpu.vector_load %arg6[%swap3A_473, %swap3A_474] {strides = array<i32>} : memref<32x1000xf32, #tpu.memory_space<vmem>>, vector<16xf32>,
      tpu.vector_store %arg6[%swap3A_473, %swap3A_474], %broadcast_in_dim3A_3 {strides = array<i32>} : memref<32x1000xf32, #tpu.memory_space<vmem>>, vector<16xf32>,
      %swap3A_476 = arith.index_cast %scan3A_469 : i32 to index
      %swap3A_477 = arith.constant 16 : index
      %swap3A_478 = tpu.vector_load %arg5[%swap3A_476, %swap3A_477] {strides = array<i32>} : memref<32x1000xf32, #tpu.memory_space<vmem>>, vector<16xf32>,
      tpu.vector_store %arg5[%swap3A_476, %swap3A_477], %broadcast_in_dim3A_3 {strides = array<i32>} : memref<32x1000xf32, #tpu.memory_space<vmem>>, vector<16xf32>,
      %swap3A_479 = arith.index_cast %scan3A_469 : i32 to index
      %swap3A_480 = arith.constant 16 : index
      %swap3A_481 = tpu.vector_load %arg6[%swap3A_479, %swap3A_480] {strides = array<i32>} : memref<32x1000xf32, #tpu.memory_space<vmem>>, vector<16xf32>,
      tpu.vector_store %arg6[%swap3A_479, %swap3A_480], %broadcast_in_dim3A_3 {strides = array<i32>} : memref<32x1000xf32, #tpu.memory_space<vmem>>, vector<16xf32>,
      %swap3A_482 = arith.index_cast %scan3A_469 : i32 to index
      %swap3A_483 = arith.constant 32 : index
      %swap3A_484 = tpu.vector_load %arg5[%swap3A_482, %swap3A_483] {strides = array<i32>} : memref<32x1000xf32, #tpu.memory_space<vmem>>, vector<16xf32>,
      tpu.vector_store %arg5[%swap3A_482, %swap3A_483], %broadcast_in_dim3A_3 {strides = array<i32>} : memref<32x1000xf32, #tpu.memory_space<vmem>>, vector<16xf32>,
      %swap3A_485 = arith.index_cast %scan3A_469 : i32 to index
      %swap3A_486 = arith.constant 32 : index
      %swap3A_487 = tpu.vector_load %arg6[%swap3A_485, %swap3A_486] {strides = array<i32>} : memref<32x1000xf32, #tpu.memory_space<vmem>>, vector<16xf32>,
      tpu.vector_store %arg6[%swap3A_485, %swap3A_486], %broadcast_in_dim3A_3 {strides = array<i32>} : memref<32x1000xf32, #tpu.memory_space<vmem>>, vector<16xf32>,
      %swap3A_488 = arith.index_cast %scan3A_469 : i32 to index
      %swap3A_489 = arith.constant 48 : index
      %swap3A_490 = tpu.vector_load %arg5[%swap3A_488, %swap3A_489] {strides = array<i32>} : memref<32x1000xf32, #tpu.memory_space<vmem>>, vector<16xf32>,
      tpu.vector_store %arg5[%swap3A_488, %swap3A_489], %broadcast_in_dim3A_3 {strides = array<i32>} : memref<32x1000xf32, #tpu.memory_space<vmem>>, vector<16xf32>,
      %swap3A_491 = arith.index_cast %scan3A_469 : i32 to index
      %swap3A_492 = arith.constant 48 : index
      %swap3A_493 = tpu.vector_load %arg6[%swap3A_491, %swap3A_492] {strides = array<i32>} : memref<32x1000xf32, #tpu.memory_space<vmem>>, vector<16xf32>,
      tpu.vector_store %arg6[%swap3A_491, %swap3A_492], %broadcast_in_dim3A_3 {strides = array<i32>} : memref<32x1000xf32, #tpu.memory_space<vmem>>, vector<16xf32>,
      %swap3A_494 = arith.index_cast %scan3A_469 : i32 to index
      %swap3A_495 = arith.constant 64 : index
      %swap3A_496 = tpu.vector_load %arg5[%swap3A_494, %swap3A_495] {strides = array<i32>} : memref<32x1000xf32, #tpu.memory_space<vmem>>, vector<16xf32>,
      tpu.vector_store %arg5[%swap3A_494, %swap3A_495], %broadcast_in_dim3A_3 {strides = array<i32>} : memref<32x1000xf32, #tpu.memory_space<vmem>>, vector<16xf32>,
      %swap3A_497 = arith.index_cast %scan3A_469 : i32 to index
      %swap3A_498 = arith.constant 64 : index
      %swap3A_499 = tpu.vector_load %arg6[%swap3A_497, %swap3A_498] {strides = array<i32>} : memref<32x1000xf32, #tpu.memory_space<vmem>>, vector<16xf32>,
      tpu.vector_store %arg6[%swap3A_497, %swap3A_498], %broadcast_in_dim3A_3 {strides = array<i32>} : memref<32x1000xf32, #tpu.memory_space<vmem>>, vector<16xf32>,
      %swap3A_500 = arith.index_cast %scan3A_469 : i32 to index
      %swap3A_501 = arith.constant 80 : index
      %swap3A_502 = tpu.vector_load %arg5[%swap3A_500, %swap3A_501] {strides = array<i32>} : memref<32x1000xf32, #tpu.memory_space<vmem>>, vector<16xf32>,
      tpu.vector_store %arg5[%swap3A_500, %swap3A_501], %broadcast_in_dim3A_3 {strides = array<i32>} : memref<32x1000xf32, #tpu.memory_space<vmem>>, vector<16xf32>,
      %swap3A_503 = arith.index_cast %scan3A_469 : i32 to index
      %swap3A_504 = arith.constant 80 : index
      %swap3A_505 = tpu.vector_load %arg6[%swap3A_503, %swap3A_504] {strides = array<i32>} : memref<32x1000xf32, #tpu.memory_space<vmem>>, vector<16xf32>,
      tpu.vector_store %arg6[%swap3A_503, %swap3A_504], %broadcast_in_dim3A_3 {strides = array<i32>} : memref<32x1000xf32, #tpu.memory_space<vmem>>, vector<16xf32>,
      %swap3A_506 = arith.index_cast %scan3A_469 : i32 to index
      %swap3A_507 = arith.constant 96 : index
      %swap3A_508 = tpu.vector_load %arg5[%swap3A_506, %swap3A_507] {strides = array<i32>} : memref<32x1000xf32, #tpu.memory_space<vmem>>, vector<16xf32>,
      tpu.vector_store %arg5[%swap3A_506, %swap3A_507], %broadcast_in_dim3A_3 {strides = array<i32>} : memref<32x1000xf32, #tpu.memory_space<vmem>>, vector<16xf32>,
      %swap3A_509 = arith.index_cast %scan3A_469 : i32 to index
      %swap3A_510 = arith.constant 96 : index
      %swap3A_511 = tpu.vector_load %arg6[%swap3A_509, %swap3A_510] {strides = array<i32>} : memref<32x1000xf32, #tpu.memory_space<vmem>>, vector<16xf32>,
      tpu.vector_store %arg6[%swap3A_509, %swap3A_510], %broadcast_in_dim3A_3 {strides = array<i32>} : memref<32x1000xf32, #tpu.memory_space<vmem>>, vector<16xf32>,
      %swap3A_512 = arith.index_cast %scan3A_469 : i32 to index
      %swap3A_513 = arith.constant 112 : index
      %swap3A_514 = tpu.vector_load %arg5[%swap3A_512, %swap3A_513] {strides = array<i32>} : memref<32x1000xf32, #tpu.memory_space<vmem>>, vector<16xf32>,
      tpu.vector_store %arg5[%swap3A_512, %swap3A_513], %broadcast_in_dim3A_3 {strides = array<i32>} : memref<32x1000xf32, #tpu.memory_space<vmem>>, vector<16xf32>,
      %swap3A_515 = arith.index_cast %scan3A_469 : i32 to index
      %swap3A_516 = arith.constant 112 : index
      %swap3A_517 = tpu.vector_load %arg6[%swap3A_515, %swap3A_516] {strides = array<i32>} : memref<32x1000xf32, #tpu.memory_space<vmem>>, vector<16xf32>,
      tpu.vector_store %arg6[%swap3A_515, %swap3A_516], %broadcast_in_dim3A_3 {strides = array<i32>} : memref<32x1000xf32, #tpu.memory_space<vmem>>, vector<16xf32>,
      %swap3A_518 = arith.index_cast %scan3A_469 : i32 to index
      %swap3A_519 = arith.constant 128 : index
      %swap3A_520 = tpu.vector_load %arg5[%swap3A_518, %swap3A_519] {strides = array<i32>} : memref<32x1000xf32, #tpu.memory_space<vmem>>, vector<16xf32>,
      tpu.vector_store %arg5[%swap3A_518, %swap3A_519], %broadcast_in_dim3A_3 {strides = array<i32>} : memref<32x1000xf32, #tpu.memory_space<vmem>>, vector<16xf32>,
      %swap3A_521 = arith.index_cast %scan3A_469 : i32 to index
      %swap3A_522 = arith.constant 128 : index
      %swap3A_523 = tpu.vector_load %arg6[%swap3A_521, %swap3A_522] {strides = array<i32>} : memref<32x1000xf32, #tpu.memory_space<vmem>>, vector<16xf32>,
      tpu.vector_store %arg6[%swap3A_521, %swap3A_522], %broadcast_in_dim3A_3 {strides = array<i32>} : memref<32x1000xf32, #tpu.memory_space<vmem>>, vector<16xf32>,
      %swap3A_524 = arith.index_cast %scan3A_469 : i32 to index
      %swap3A_525 = arith.constant 144 : index
      %swap3A_526 = tpu.vector_load %arg5[%swap3A_524, %swap3A_525] {strides = array<i32>} : memref<32x1000xf32, #tpu.memory_space<vmem>>, vector<16xf32>,
      tpu.vector_store %arg5[%swap3A_524, %swap3A_525], %broadcast_in_dim3A_3 {strides = array<i32>} : memref<32x1000xf32, #tpu.memory_space<vmem>>, vector<16xf32>,
      %swap3A_527 = arith.index_cast %scan3A_469 : i32 to index
      %swap3A_528 = arith.constant 144 : index
      %swap3A_529 = tpu.vector_load %arg6[%swap3A_527, %swap3A_528] {strides = array<i32>} : memref<32x1000xf32, #tpu.memory_space<vmem>>, vector<16xf32>,
      tpu.vector_store %arg6[%swap3A_527, %swap3A_528], %broadcast_in_dim3A_3 {strides = array<i32>} : memref<32x1000xf32, #tpu.memory_space<vmem>>, vector<16xf32>,
      %swap3A_530 = arith.index_cast %scan3A_469 : i32 to index
      %swap3A_531 = arith.constant 160 : index
      %swap3A_532 = tpu.vector_load %arg5[%swap3A_530, %swap3A_531] {strides = array<i32>} : memref<32x1000xf32, #tpu.memory_space<vmem>>, vector<16xf32>,
      tpu.vector_store %arg5[%swap3A_530, %swap3A_531], %broadcast_in_dim3A_3 {strides = array<i32>} : memref<32x1000xf32, #tpu.memory_space<vmem>>, vector<16xf32>,
      %swap3A_533 = arith.index_cast %scan3A_469 : i32 to index
      %swap3A_534 = arith.constant 160 : index
      %swap3A_535 = tpu.vector_load %arg6[%swap3A_533, %swap3A_534] {strides = array<i32>} : memref<32x1000xf32, #tpu.memory_space<vmem>>, vector<16xf32>,
      tpu.vector_store %arg6[%swap3A_533, %swap3A_534], %broadcast_in_dim3A_3 {strides = array<i32>} : memref<32x1000xf32, #tpu.memory_space<vmem>>, vector<16xf32>,
      %swap3A_536 = arith.index_cast %scan3A_469 : i32 to index
      %swap3A_537 = arith.constant 176 : index
      %swap3A_538 = tpu.vector_load %arg5[%swap3A_536, %swap3A_537] {strides = array<i32>} : memref<32x1000xf32, #tpu.memory_space<vmem>>, vector<16xf32>,
      tpu.vector_store %arg5[%swap3A_536, %swap3A_537], %broadcast_in_dim3A_3 {strides = array<i32>} : memref<32x1000xf32, #tpu.memory_space<vmem>>, vector<16xf32>,
      %swap3A_539 = arith.index_cast %scan3A_469 : i32 to index
      %swap3A_540 = arith.constant 176 : index
      %swap3A_541 = tpu.vector_load %arg6[%swap3A_539, %swap3A_540] {strides = array<i32>} : memref<32x1000xf32, #tpu.memory_space<vmem>>, vector<16xf32>,
      tpu.vector_store %arg6[%swap3A_539, %swap3A_540], %broadcast_in_dim3A_3 {strides = array<i32>} : memref<32x1000xf32, #tpu.memory_space<vmem>>, vector<16xf32>,
      %swap3A_542 = arith.index_cast %scan3A_469 : i32 to index
      %swap3A_543 = arith.constant 192 : index
      %swap3A_544 = tpu.vector_load %arg5[%swap3A_542, %swap3A_543] {strides = array<i32>} : memref<32x1000xf32, #tpu.memory_space<vmem>>, vector<16xf32>,
      tpu.vector_store %arg5[%swap3A_542, %swap3A_543], %broadcast_in_dim3A_3 {strides = array<i32>} : memref<32x1000xf32, #tpu.memory_space<vmem>>, vector<16xf32>,
      %swap3A_545 = arith.index_cast %scan3A_469 : i32 to index
      %swap3A_546 = arith.constant 192 : index
      %swap3A_547 = tpu.vector_load %arg6[%swap3A_545, %swap3A_546] {strides = array<i32>} : memref<32x1000xf32, #tpu.memory_space<vmem>>, vector<16xf32>,
      tpu.vector_store %arg6[%swap3A_545, %swap3A_546], %broadcast_in_dim3A_3 {strides = array<i32>} : memref<32x1000xf32, #tpu.memory_space<vmem>>, vector<16xf32>,
      %swap3A_548 = arith.index_cast %scan3A_469 : i32 to index
      %swap3A_549 = arith.constant 208 : index
      %swap3A_550 = tpu.vector_load %arg5[%swap3A_548, %swap3A_549] {strides = array<i32>} : memref<32x1000xf32, #tpu.memory_space<vmem>>, vector<16xf32>,
      tpu.vector_store %arg5[%swap3A_548, %swap3A_549], %broadcast_in_dim3A_3 {strides = array<i32>} : memref<32x1000xf32, #tpu.memory_space<vmem>>, vector<16xf32>,
      %swap3A_551 = arith.index_cast %scan3A_469 : i32 to index
      %swap3A_552 = arith.constant 208 : index
      %swap3A_553 = tpu.vector_load %arg6[%swap3A_551, %swap3A_552] {strides = array<i32>} : memref<32x1000xf32, #tpu.memory_space<vmem>>, vector<16xf32>,
      tpu.vector_store %arg6[%swap3A_551, %swap3A_552], %broadcast_in_dim3A_3 {strides = array<i32>} : memref<32x1000xf32, #tpu.memory_space<vmem>>, vector<16xf32>,
      %swap3A_554 = arith.index_cast %scan3A_469 : i32 to index
      %swap3A_555 = arith.constant 224 : index
      %swap3A_556 = tpu.vector_load %arg5[%swap3A_554, %swap3A_555] {strides = array<i32>} : memref<32x1000xf32, #tpu.memory_space<vmem>>, vector<16xf32>,
      tpu.vector_store %arg5[%swap3A_554, %swap3A_555], %broadcast_in_dim3A_3 {strides = array<i32>} : memref<32x1000xf32, #tpu.memory_space<vmem>>, vector<16xf32>,
      %swap3A_557 = arith.index_cast %scan3A_469 : i32 to index
      %swap3A_558 = arith.constant 224 : index
      %swap3A_559 = tpu.vector_load %arg6[%swap3A_557, %swap3A_558] {strides = array<i32>} : memref<32x1000xf32, #tpu.memory_space<vmem>>, vector<16xf32>,
      tpu.vector_store %arg6[%swap3A_557, %swap3A_558], %broadcast_in_dim3A_3 {strides = array<i32>} : memref<32x1000xf32, #tpu.memory_space<vmem>>, vector<16xf32>,
      %swap3A_560 = arith.index_cast %scan3A_469 : i32 to index
      %swap3A_561 = arith.constant 240 : index
      %swap3A_562 = tpu.vector_load %arg5[%swap3A_560, %swap3A_561] {strides = array<i32>} : memref<32x1000xf32, #tpu.memory_space<vmem>>, vector<16xf32>,
      tpu.vector_store %arg5[%swap3A_560, %swap3A_561], %broadcast_in_dim3A_3 {strides = array<i32>} : memref<32x1000xf32, #tpu.memory_space<vmem>>, vector<16xf32>,
      %swap3A_563 = arith.index_cast %scan3A_469 : i32 to index
      %swap3A_564 = arith.constant 240 : index
      %swap3A_565 = tpu.vector_load %arg6[%swap3A_563, %swap3A_564] {strides = array<i32>} : memref<32x1000xf32, #tpu.memory_space<vmem>>, vector<16xf32>,
      tpu.vector_store %arg6[%swap3A_563, %swap3A_564], %broadcast_in_dim3A_3 {strides = array<i32>} : memref<32x1000xf32, #tpu.memory_space<vmem>>, vector<16xf32>,
      %swap3A_566 = arith.index_cast %scan3A_469 : i32 to index
      %swap3A_567 = arith.constant 256 : index
      %swap3A_568 = tpu.vector_load %arg5[%swap3A_566, %swap3A_567] {strides = array<i32>} : memref<32x1000xf32, #tpu.memory_space<vmem>>, vector<16xf32>,
      tpu.vector_store %arg5[%swap3A_566, %swap3A_567], %broadcast_in_dim3A_3 {strides = array<i32>} : memref<32x1000xf32, #tpu.memory_space<vmem>>, vector<16xf32>,
      %swap3A_569 = arith.index_cast %scan3A_469 : i32 to index
      %swap3A_570 = arith.constant 256 : index
      %swap3A_571 = tpu.vector_load %arg6[%swap3A_569, %swap3A_570] {strides = array<i32>} : memref<32x1000xf32, #tpu.memory_space<vmem>>, vector<16xf32>,
      tpu.vector_store %arg6[%swap3A_569, %swap3A_570], %broadcast_in_dim3A_3 {strides = array<i32>} : memref<32x1000xf32, #tpu.memory_space<vmem>>, vector<16xf32>,
      %swap3A_572 = arith.index_cast %scan3A_469 : i32 to index
      %swap3A_573 = arith.constant 272 : index
      %swap3A_574 = tpu.vector_load %arg5[%swap3A_572, %swap3A_573] {strides = array<i32>} : memref<32x1000xf32, #tpu.memory_space<vmem>>, vector<16xf32>,
      tpu.vector_store %arg5[%swap3A_572, %swap3A_573], %broadcast_in_dim3A_3 {strides = array<i32>} : memref<32x1000xf32, #tpu.memory_space<vmem>>, vector<16xf32>,
      %swap3A_575 = arith.index_cast %scan3A_469 : i32 to index
      %swap3A_576 = arith.constant 272 : index
      %swap3A_577 = tpu.vector_load %arg6[%swap3A_575, %swap3A_576] {strides = array<i32>} : memref<32x1000xf32, #tpu.memory_space<vmem>>, vector<16xf32>,
      tpu.vector_store %arg6[%swap3A_575, %swap3A_576], %broadcast_in_dim3A_3 {strides = array<i32>} : memref<32x1000xf32, #tpu.memory_space<vmem>>, vector<16xf32>,
      %swap3A_578 = arith.index_cast %scan3A_469 : i32 to index
      %swap3A_579 = arith.constant 288 : index
      %swap3A_580 = tpu.vector_load %arg5[%swap3A_578, %swap3A_579] {strides = array<i32>} : memref<32x1000xf32, #tpu.memory_space<vmem>>, vector<16xf32>,
      tpu.vector_store %arg5[%swap3A_578, %swap3A_579], %broadcast_in_dim3A_3 {strides = array<i32>} : memref<32x1000xf32, #tpu.memory_space<vmem>>, vector<16xf32>,
      %swap3A_581 = arith.index_cast %scan3A_469 : i32 to index
      %swap3A_582 = arith.constant 288 : index
      %swap3A_583 = tpu.vector_load %arg6[%swap3A_581, %swap3A_582] {strides = array<i32>} : memref<32x1000xf32, #tpu.memory_space<vmem>>, vector<16xf32>,
      tpu.vector_store %arg6[%swap3A_581, %swap3A_582], %broadcast_in_dim3A_3 {strides = array<i32>} : memref<32x1000xf32, #tpu.memory_space<vmem>>, vector<16xf32>,
      %swap3A_584 = arith.index_cast %scan3A_469 : i32 to index
      %swap3A_585 = arith.constant 304 : index
      %swap3A_586 = tpu.vector_load %arg5[%swap3A_584, %swap3A_585] {strides = array<i32>} : memref<32x1000xf32, #tpu.memory_space<vmem>>, vector<16xf32>,
      tpu.vector_store %arg5[%swap3A_584, %swap3A_585], %broadcast_in_dim3A_3 {strides = array<i32>} : memref<32x1000xf32, #tpu.memory_space<vmem>>, vector<16xf32>,
      %swap3A_587 = arith.index_cast %scan3A_469 : i32 to index
      %swap3A_588 = arith.constant 304 : index
      %swap3A_589 = tpu.vector_load %arg6[%swap3A_587, %swap3A_588] {strides = array<i32>} : memref<32x1000xf32, #tpu.memory_space<vmem>>, vector<16xf32>,
      tpu.vector_store %arg6[%swap3A_587, %swap3A_588], %broadcast_in_dim3A_3 {strides = array<i32>} : memref<32x1000xf32, #tpu.memory_space<vmem>>, vector<16xf32>,
      %swap3A_590 = arith.index_cast %scan3A_469 : i32 to index
      %swap3A_591 = arith.constant 320 : index
      %swap3A_592 = tpu.vector_load %arg5[%swap3A_590, %swap3A_591] {strides = array<i32>} : memref<32x1000xf32, #tpu.memory_space<vmem>>, vector<16xf32>,
      tpu.vector_store %arg5[%swap3A_590, %swap3A_591], %broadcast_in_dim3A_3 {strides = array<i32>} : memref<32x1000xf32, #tpu.memory_space<vmem>>, vector<16xf32>,
      %swap3A_593 = arith.index_cast %scan3A_469 : i32 to index
      %swap3A_594 = arith.constant 320 : index
      %swap3A_595 = tpu.vector_load %arg6[%swap3A_593, %swap3A_594] {strides = array<i32>} : memref<32x1000xf32, #tpu.memory_space<vmem>>, vector<16xf32>,
      tpu.vector_store %arg6[%swap3A_593, %swap3A_594], %broadcast_in_dim3A_3 {strides = array<i32>} : memref<32x1000xf32, #tpu.memory_space<vmem>>, vector<16xf32>,
      %swap3A_596 = arith.index_cast %scan3A_469 : i32 to index
      %swap3A_597 = arith.constant 336 : index
      %swap3A_598 = tpu.vector_load %arg5[%swap3A_596, %swap3A_597] {strides = array<i32>} : memref<32x1000xf32, #tpu.memory_space<vmem>>, vector<16xf32>,
      tpu.vector_store %arg5[%swap3A_596, %swap3A_597], %broadcast_in_dim3A_3 {strides = array<i32>} : memref<32x1000xf32, #tpu.memory_space<vmem>>, vector<16xf32>,
      %swap3A_599 = arith.index_cast %scan3A_469 : i32 to index
      %swap3A_600 = arith.constant 336 : index
      %swap3A_601 = tpu.vector_load %arg6[%swap3A_599, %swap3A_600] {strides = array<i32>} : memref<32x1000xf32, #tpu.memory_space<vmem>>, vector<16xf32>,
      tpu.vector_store %arg6[%swap3A_599, %swap3A_600], %broadcast_in_dim3A_3 {strides = array<i32>} : memref<32x1000xf32, #tpu.memory_space<vmem>>, vector<16xf32>,
      %swap3A_602 = arith.index_cast %scan3A_469 : i32 to index
      %swap3A_603 = arith.constant 352 : index
      %swap3A_604 = tpu.vector_load %arg5[%swap3A_602, %swap3A_603] {strides = array<i32>} : memref<32x1000xf32, #tpu.memory_space<vmem>>, vector<16xf32>,
      tpu.vector_store %arg5[%swap3A_602, %swap3A_603], %broadcast_in_dim3A_3 {strides = array<i32>} : memref<32x1000xf32, #tpu.memory_space<vmem>>, vector<16xf32>,
      %swap3A_605 = arith.index_cast %scan3A_469 : i32 to index
      %swap3A_606 = arith.constant 352 : index
      %swap3A_607 = tpu.vector_load %arg6[%swap3A_605, %swap3A_606] {strides = array<i32>} : memref<32x1000xf32, #tpu.memory_space<vmem>>, vector<16xf32>,
      tpu.vector_store %arg6[%swap3A_605, %swap3A_606], %broadcast_in_dim3A_3 {strides = array<i32>} : memref<32x1000xf32, #tpu.memory_space<vmem>>, vector<16xf32>,
      %swap3A_608 = arith.index_cast %scan3A_469 : i32 to index
      %swap3A_609 = arith.constant 368 : index
      %swap3A_610 = tpu.vector_load %arg5[%swap3A_608, %swap3A_609] {strides = array<i32>} : memref<32x1000xf32, #tpu.memory_space<vmem>>, vector<16xf32>,
      tpu.vector_store %arg5[%swap3A_608, %swap3A_609], %broadcast_in_dim3A_3 {strides = array<i32>} : memref<32x1000xf32, #tpu.memory_space<vmem>>, vector<16xf32>,
      %swap3A_611 = arith.index_cast %scan3A_469 : i32 to index
      %swap3A_612 = arith.constant 368 : index
      %swap3A_613 = tpu.vector_load %arg6[%swap3A_611, %swap3A_612] {strides = array<i32>} : memref<32x1000xf32, #tpu.memory_space<vmem>>, vector<16xf32>,
      tpu.vector_store %arg6[%swap3A_611, %swap3A_612], %broadcast_in_dim3A_3 {strides = array<i32>} : memref<32x1000xf32, #tpu.memory_space<vmem>>, vector<16xf32>,
      %swap3A_614 = arith.index_cast %scan3A_469 : i32 to index
      %swap3A_615 = arith.constant 384 : index
      %swap3A_616 = tpu.vector_load %arg5[%swap3A_614, %swap3A_615] {strides = array<i32>} : memref<32x1000xf32, #tpu.memory_space<vmem>>, vector<16xf32>,
      tpu.vector_store %arg5[%swap3A_614, %swap3A_615], %broadcast_in_dim3A_3 {strides = array<i32>} : memref<32x1000xf32, #tpu.memory_space<vmem>>, vector<16xf32>,
      %swap3A_617 = arith.index_cast %scan3A_469 : i32 to index
      %swap3A_618 = arith.constant 384 : index
      %swap3A_619 = tpu.vector_load %arg6[%swap3A_617, %swap3A_618] {strides = array<i32>} : memref<32x1000xf32, #tpu.memory_space<vmem>>, vector<16xf32>,
      tpu.vector_store %arg6[%swap3A_617, %swap3A_618], %broadcast_in_dim3A_3 {strides = array<i32>} : memref<32x1000xf32, #tpu.memory_space<vmem>>, vector<16xf32>,
      %swap3A_620 = arith.index_cast %scan3A_469 : i32 to index
      %swap3A_621 = arith.constant 400 : index
      %swap3A_622 = tpu.vector_load %arg5[%swap3A_620, %swap3A_621] {strides = array<i32>} : memref<32x1000xf32, #tpu.memory_space<vmem>>, vector<16xf32>,
      tpu.vector_store %arg5[%swap3A_620, %swap3A_621], %broadcast_in_dim3A_3 {strides = array<i32>} : memref<32x1000xf32, #tpu.memory_space<vmem>>, vector<16xf32>,
      %swap3A_623 = arith.index_cast %scan3A_469 : i32 to index
      %swap3A_624 = arith.constant 400 : index
      %swap3A_625 = tpu.vector_load %arg6[%swap3A_623, %swap3A_624] {strides = array<i32>} : memref<32x1000xf32, #tpu.memory_space<vmem>>, vector<16xf32>,
      tpu.vector_store %arg6[%swap3A_623, %swap3A_624], %broadcast_in_dim3A_3 {strides = array<i32>} : memref<32x1000xf32, #tpu.memory_space<vmem>>, vector<16xf32>,
      %swap3A_626 = arith.index_cast %scan3A_469 : i32 to index
      %swap3A_627 = arith.constant 416 : index
      %swap3A_628 = tpu.vector_load %arg5[%swap3A_626, %swap3A_627] {strides = array<i32>} : memref<32x1000xf32, #tpu.memory_space<vmem>>, vector<16xf32>,
      tpu.vector_store %arg5[%swap3A_626, %swap3A_627], %broadcast_in_dim3A_3 {strides = array<i32>} : memref<32x1000xf32, #tpu.memory_space<vmem>>, vector<16xf32>,
      %swap3A_629 = arith.index_cast %scan3A_469 : i32 to index
      %swap3A_630 = arith.constant 416 : index
      %swap3A_631 = tpu.vector_load %arg6[%swap3A_629, %swap3A_630] {strides = array<i32>} : memref<32x1000xf32, #tpu.memory_space<vmem>>, vector<16xf32>,
      tpu.vector_store %arg6[%swap3A_629, %swap3A_630], %broadcast_in_dim3A_3 {strides = array<i32>} : memref<32x1000xf32, #tpu.memory_space<vmem>>, vector<16xf32>,
      %swap3A_632 = arith.index_cast %scan3A_469 : i32 to index
      %swap3A_633 = arith.constant 432 : index
      %swap3A_634 = tpu.vector_load %arg5[%swap3A_632, %swap3A_633] {strides = array<i32>} : memref<32x1000xf32, #tpu.memory_space<vmem>>, vector<16xf32>,
      tpu.vector_store %arg5[%swap3A_632, %swap3A_633], %broadcast_in_dim3A_3 {strides = array<i32>} : memref<32x1000xf32, #tpu.memory_space<vmem>>, vector<16xf32>,
      %swap3A_635 = arith.index_cast %scan3A_469 : i32 to index
      %swap3A_636 = arith.constant 432 : index
      %swap3A_637 = tpu.vector_load %arg6[%swap3A_635, %swap3A_636] {strides = array<i32>} : memref<32x1000xf32, #tpu.memory_space<vmem>>, vector<16xf32>,
      tpu.vector_store %arg6[%swap3A_635, %swap3A_636], %broadcast_in_dim3A_3 {strides = array<i32>} : memref<32x1000xf32, #tpu.memory_space<vmem>>, vector<16xf32>,
      %swap3A_638 = arith.index_cast %scan3A_469 : i32 to index
      %swap3A_639 = arith.constant 448 : index
      %swap3A_640 = tpu.vector_load %arg5[%swap3A_638, %swap3A_639] {strides = array<i32>} : memref<32x1000xf32, #tpu.memory_space<vmem>>, vector<16xf32>,
      tpu.vector_store %arg5[%swap3A_638, %swap3A_639], %broadcast_in_dim3A_3 {strides = array<i32>} : memref<32x1000xf32, #tpu.memory_space<vmem>>, vector<16xf32>,
      %swap3A_641 = arith.index_cast %scan3A_469 : i32 to index
      %swap3A_642 = arith.constant 448 : index
      %swap3A_643 = tpu.vector_load %arg6[%swap3A_641, %swap3A_642] {strides = array<i32>} : memref<32x1000xf32, #tpu.memory_space<vmem>>, vector<16xf32>,
      tpu.vector_store %arg6[%swap3A_641, %swap3A_642], %broadcast_in_dim3A_3 {strides = array<i32>} : memref<32x1000xf32, #tpu.memory_space<vmem>>, vector<16xf32>,
      %swap3A_644 = arith.index_cast %scan3A_469 : i32 to index
      %swap3A_645 = arith.constant 464 : index
      %swap3A_646 = tpu.vector_load %arg5[%swap3A_644, %swap3A_645] {strides = array<i32>} : memref<32x1000xf32, #tpu.memory_space<vmem>>, vector<16xf32>,
      tpu.vector_store %arg5[%swap3A_644, %swap3A_645], %broadcast_in_dim3A_3 {strides = array<i32>} : memref<32x1000xf32, #tpu.memory_space<vmem>>, vector<16xf32>,
      %swap3A_647 = arith.index_cast %scan3A_469 : i32 to index
      %swap3A_648 = arith.constant 464 : index
      %swap3A_649 = tpu.vector_load %arg6[%swap3A_647, %swap3A_648] {strides = array<i32>} : memref<32x1000xf32, #tpu.memory_space<vmem>>, vector<16xf32>,
      tpu.vector_store %arg6[%swap3A_647, %swap3A_648], %broadcast_in_dim3A_3 {strides = array<i32>} : memref<32x1000xf32, #tpu.memory_space<vmem>>, vector<16xf32>,
      %swap3A_650 = arith.index_cast %scan3A_469 : i32 to index
      %swap3A_651 = arith.constant 480 : index
      %swap3A_652 = tpu.vector_load %arg5[%swap3A_650, %swap3A_651] {strides = array<i32>} : memref<32x1000xf32, #tpu.memory_space<vmem>>, vector<16xf32>,
      tpu.vector_store %arg5[%swap3A_650, %swap3A_651], %broadcast_in_dim3A_3 {strides = array<i32>} : memref<32x1000xf32, #tpu.memory_space<vmem>>, vector<16xf32>,
      %swap3A_653 = arith.index_cast %scan3A_469 : i32 to index
      %swap3A_654 = arith.constant 480 : index
      %swap3A_655 = tpu.vector_load %arg6[%swap3A_653, %swap3A_654] {strides = array<i32>} : memref<32x1000xf32, #tpu.memory_space<vmem>>, vector<16xf32>,
      tpu.vector_store %arg6[%swap3A_653, %swap3A_654], %broadcast_in_dim3A_3 {strides = array<i32>} : memref<32x1000xf32, #tpu.memory_space<vmem>>, vector<16xf32>,
      %swap3A_656 = arith.index_cast %scan3A_469 : i32 to index
      %swap3A_657 = arith.constant 496 : index
      %swap3A_658 = tpu.vector_load %arg5[%swap3A_656, %swap3A_657] {strides = array<i32>} : memref<32x1000xf32, #tpu.memory_space<vmem>>, vector<16xf32>,
      tpu.vector_store %arg5[%swap3A_656, %swap3A_657], %broadcast_in_dim3A_3 {strides = array<i32>} : memref<32x1000xf32, #tpu.memory_space<vmem>>, vector<16xf32>,
      %swap3A_659 = arith.index_cast %scan3A_469 : i32 to index
      %swap3A_660 = arith.constant 496 : index
      %swap3A_661 = tpu.vector_load %arg6[%swap3A_659, %swap3A_660] {strides = array<i32>} : memref<32x1000xf32, #tpu.memory_space<vmem>>, vector<16xf32>,
      tpu.vector_store %arg6[%swap3A_659, %swap3A_660], %broadcast_in_dim3A_3 {strides = array<i32>} : memref<32x1000xf32, #tpu.memory_space<vmem>>, vector<16xf32>,
      %swap3A_662 = arith.index_cast %scan3A_469 : i32 to index
      %swap3A_663 = arith.constant 512 : index
      %swap3A_664 = tpu.vector_load %arg5[%swap3A_662, %swap3A_663] {strides = array<i32>} : memref<32x1000xf32, #tpu.memory_space<vmem>>, vector<16xf32>,
      tpu.vector_store %arg5[%swap3A_662, %swap3A_663], %broadcast_in_dim3A_3 {strides = array<i32>} : memref<32x1000xf32, #tpu.memory_space<vmem>>, vector<16xf32>,
      %swap3A_665 = arith.index_cast %scan3A_469 : i32 to index
      %swap3A_666 = arith.constant 512 : index
      %swap3A_667 = tpu.vector_load %arg6[%swap3A_665, %swap3A_666] {strides = array<i32>} : memref<32x1000xf32, #tpu.memory_space<vmem>>, vector<16xf32>,
      tpu.vector_store %arg6[%swap3A_665, %swap3A_666], %broadcast_in_dim3A_3 {strides = array<i32>} : memref<32x1000xf32, #tpu.memory_space<vmem>>, vector<16xf32>,
      %swap3A_668 = arith.index_cast %scan3A_469 : i32 to index
      %swap3A_669 = arith.constant 528 : index
      %swap3A_670 = tpu.vector_load %arg5[%swap3A_668, %swap3A_669] {strides = array<i32>} : memref<32x1000xf32, #tpu.memory_space<vmem>>, vector<16xf32>,
      tpu.vector_store %arg5[%swap3A_668, %swap3A_669], %broadcast_in_dim3A_3 {strides = array<i32>} : memref<32x1000xf32, #tpu.memory_space<vmem>>, vector<16xf32>,
      %swap3A_671 = arith.index_cast %scan3A_469 : i32 to index
      %swap3A_672 = arith.constant 528 : index
      %swap3A_673 = tpu.vector_load %arg6[%swap3A_671, %swap3A_672] {strides = array<i32>} : memref<32x1000xf32, #tpu.memory_space<vmem>>, vector<16xf32>,
      tpu.vector_store %arg6[%swap3A_671, %swap3A_672], %broadcast_in_dim3A_3 {strides = array<i32>} : memref<32x1000xf32, #tpu.memory_space<vmem>>, vector<16xf32>,
      %swap3A_674 = arith.index_cast %scan3A_469 : i32 to index
      %swap3A_675 = arith.constant 544 : index
      %swap3A_676 = tpu.vector_load %arg5[%swap3A_674, %swap3A_675] {strides = array<i32>} : memref<32x1000xf32, #tpu.memory_space<vmem>>, vector<16xf32>,
      tpu.vector_store %arg5[%swap3A_674, %swap3A_675], %broadcast_in_dim3A_3 {strides = array<i32>} : memref<32x1000xf32, #tpu.memory_space<vmem>>, vector<16xf32>,
      %swap3A_677 = arith.index_cast %scan3A_469 : i32 to index
      %swap3A_678 = arith.constant 544 : index
      %swap3A_679 = tpu.vector_load %arg6[%swap3A_677, %swap3A_678] {strides = array<i32>} : memref<32x1000xf32, #tpu.memory_space<vmem>>, vector<16xf32>,
      tpu.vector_store %arg6[%swap3A_677, %swap3A_678], %broadcast_in_dim3A_3 {strides = array<i32>} : memref<32x1000xf32, #tpu.memory_space<vmem>>, vector<16xf32>,
      %swap3A_680 = arith.index_cast %scan3A_469 : i32 to index
      %swap3A_681 = arith.constant 560 : index
      %swap3A_682 = tpu.vector_load %arg5[%swap3A_680, %swap3A_681] {strides = array<i32>} : memref<32x1000xf32, #tpu.memory_space<vmem>>, vector<16xf32>,
      tpu.vector_store %arg5[%swap3A_680, %swap3A_681], %broadcast_in_dim3A_3 {strides = array<i32>} : memref<32x1000xf32, #tpu.memory_space<vmem>>, vector<16xf32>,
      %swap3A_683 = arith.index_cast %scan3A_469 : i32 to index
      %swap3A_684 = arith.constant 560 : index
      %swap3A_685 = tpu.vector_load %arg6[%swap3A_683, %swap3A_684] {strides = array<i32>} : memref<32x1000xf32, #tpu.memory_space<vmem>>, vector<16xf32>,
      tpu.vector_store %arg6[%swap3A_683, %swap3A_684], %broadcast_in_dim3A_3 {strides = array<i32>} : memref<32x1000xf32, #tpu.memory_space<vmem>>, vector<16xf32>,
      %swap3A_686 = arith.index_cast %scan3A_469 : i32 to index
      %swap3A_687 = arith.constant 576 : index
      %swap3A_688 = tpu.vector_load %arg5[%swap3A_686, %swap3A_687] {strides = array<i32>} : memref<32x1000xf32, #tpu.memory_space<vmem>>, vector<16xf32>,
      tpu.vector_store %arg5[%swap3A_686, %swap3A_687], %broadcast_in_dim3A_3 {strides = array<i32>} : memref<32x1000xf32, #tpu.memory_space<vmem>>, vector<16xf32>,
      %swap3A_689 = arith.index_cast %scan3A_469 : i32 to index
      %swap3A_690 = arith.constant 576 : index
      %swap3A_691 = tpu.vector_load %arg6[%swap3A_689, %swap3A_690] {strides = array<i32>} : memref<32x1000xf32, #tpu.memory_space<vmem>>, vector<16xf32>,
      tpu.vector_store %arg6[%swap3A_689, %swap3A_690], %broadcast_in_dim3A_3 {strides = array<i32>} : memref<32x1000xf32, #tpu.memory_space<vmem>>, vector<16xf32>,
      %swap3A_692 = arith.index_cast %scan3A_469 : i32 to index
      %swap3A_693 = arith.constant 592 : index
      %swap3A_694 = tpu.vector_load %arg5[%swap3A_692, %swap3A_693] {strides = array<i32>} : memref<32x1000xf32, #tpu.memory_space<vmem>>, vector<16xf32>,
      tpu.vector_store %arg5[%swap3A_692, %swap3A_693], %broadcast_in_dim3A_3 {strides = array<i32>} : memref<32x1000xf32, #tpu.memory_space<vmem>>, vector<16xf32>,
      %swap3A_695 = arith.index_cast %scan3A_469 : i32 to index
      %swap3A_696 = arith.constant 592 : index
      %swap3A_697 = tpu.vector_load %arg6[%swap3A_695, %swap3A_696] {strides = array<i32>} : memref<32x1000xf32, #tpu.memory_space<vmem>>, vector<16xf32>,
      tpu.vector_store %arg6[%swap3A_695, %swap3A_696], %broadcast_in_dim3A_3 {strides = array<i32>} : memref<32x1000xf32, #tpu.memory_space<vmem>>, vector<16xf32>,
      %swap3A_698 = arith.index_cast %scan3A_469 : i32 to index
      %swap3A_699 = arith.constant 608 : index
      %swap3A_700 = tpu.vector_load %arg5[%swap3A_698, %swap3A_699] {strides = array<i32>} : memref<32x1000xf32, #tpu.memory_space<vmem>>, vector<16xf32>,
      tpu.vector_store %arg5[%swap3A_698, %swap3A_699], %broadcast_in_dim3A_3 {strides = array<i32>} : memref<32x1000xf32, #tpu.memory_space<vmem>>, vector<16xf32>,
      %swap3A_701 = arith.index_cast %scan3A_469 : i32 to index
      %swap3A_702 = arith.constant 608 : index
      %swap3A_703 = tpu.vector_load %arg6[%swap3A_701, %swap3A_702] {strides = array<i32>} : memref<32x1000xf32, #tpu.memory_space<vmem>>, vector<16xf32>,
      tpu.vector_store %arg6[%swap3A_701, %swap3A_702], %broadcast_in_dim3A_3 {strides = array<i32>} : memref<32x1000xf32, #tpu.memory_space<vmem>>, vector<16xf32>,
      %swap3A_704 = arith.index_cast %scan3A_469 : i32 to index
      %swap3A_705 = arith.constant 624 : index
      %swap3A_706 = tpu.vector_load %arg5[%swap3A_704, %swap3A_705] {strides = array<i32>} : memref<32x1000xf32, #tpu.memory_space<vmem>>, vector<16xf32>,
      tpu.vector_store %arg5[%swap3A_704, %swap3A_705], %broadcast_in_dim3A_3 {strides = array<i32>} : memref<32x1000xf32, #tpu.memory_space<vmem>>, vector<16xf32>,
      %swap3A_707 = arith.index_cast %scan3A_469 : i32 to index
      %swap3A_708 = arith.constant 624 : index
      %swap3A_709 = tpu.vector_load %arg6[%swap3A_707, %swap3A_708] {strides = array<i32>} : memref<32x1000xf32, #tpu.memory_space<vmem>>, vector<16xf32>,
      tpu.vector_store %arg6[%swap3A_707, %swap3A_708], %broadcast_in_dim3A_3 {strides = array<i32>} : memref<32x1000xf32, #tpu.memory_space<vmem>>, vector<16xf32>,
      %swap3A_710 = arith.index_cast %scan3A_469 : i32 to index
      %swap3A_711 = arith.constant 640 : index
      %swap3A_712 = tpu.vector_load %arg5[%swap3A_710, %swap3A_711] {strides = array<i32>} : memref<32x1000xf32, #tpu.memory_space<vmem>>, vector<16xf32>,
      tpu.vector_store %arg5[%swap3A_710, %swap3A_711], %broadcast_in_dim3A_3 {strides = array<i32>} : memref<32x1000xf32, #tpu.memory_space<vmem>>, vector<16xf32>,
      %swap3A_713 = arith.index_cast %scan3A_469 : i32 to index
      %swap3A_714 = arith.constant 640 : index
      %swap3A_715 = tpu.vector_load %arg6[%swap3A_713, %swap3A_714] {strides = array<i32>} : memref<32x1000xf32, #tpu.memory_space<vmem>>, vector<16xf32>,
      tpu.vector_store %arg6[%swap3A_713, %swap3A_714], %broadcast_in_dim3A_3 {strides = array<i32>} : memref<32x1000xf32, #tpu.memory_space<vmem>>, vector<16xf32>,
      %swap3A_716 = arith.index_cast %scan3A_469 : i32 to index
      %swap3A_717 = arith.constant 656 : index
      %swap3A_718 = tpu.vector_load %arg5[%swap3A_716, %swap3A_717] {strides = array<i32>} : memref<32x1000xf32, #tpu.memory_space<vmem>>, vector<16xf32>,
      tpu.vector_store %arg5[%swap3A_716, %swap3A_717], %broadcast_in_dim3A_3 {strides = array<i32>} : memref<32x1000xf32, #tpu.memory_space<vmem>>, vector<16xf32>,
      %swap3A_719 = arith.index_cast %scan3A_469 : i32 to index
      %swap3A_720 = arith.constant 656 : index
      %swap3A_721 = tpu.vector_load %arg6[%swap3A_719, %swap3A_720] {strides = array<i32>} : memref<32x1000xf32, #tpu.memory_space<vmem>>, vector<16xf32>,
      tpu.vector_store %arg6[%swap3A_719, %swap3A_720], %broadcast_in_dim3A_3 {strides = array<i32>} : memref<32x1000xf32, #tpu.memory_space<vmem>>, vector<16xf32>,
      %swap3A_722 = arith.index_cast %scan3A_469 : i32 to index
      %swap3A_723 = arith.constant 672 : index
      %swap3A_724 = tpu.vector_load %arg5[%swap3A_722, %swap3A_723] {strides = array<i32>} : memref<32x1000xf32, #tpu.memory_space<vmem>>, vector<16xf32>,
      tpu.vector_store %arg5[%swap3A_722, %swap3A_723], %broadcast_in_dim3A_3 {strides = array<i32>} : memref<32x1000xf32, #tpu.memory_space<vmem>>, vector<16xf32>,
      %swap3A_725 = arith.index_cast %scan3A_469 : i32 to index
      %swap3A_726 = arith.constant 672 : index
      %swap3A_727 = tpu.vector_load %arg6[%swap3A_725, %swap3A_726] {strides = array<i32>} : memref<32x1000xf32, #tpu.memory_space<vmem>>, vector<16xf32>,
      tpu.vector_store %arg6[%swap3A_725, %swap3A_726], %broadcast_in_dim3A_3 {strides = array<i32>} : memref<32x1000xf32, #tpu.memory_space<vmem>>, vector<16xf32>,
      %swap3A_728 = arith.index_cast %scan3A_469 : i32 to index
      %swap3A_729 = arith.constant 688 : index
      %swap3A_730 = tpu.vector_load %arg5[%swap3A_728, %swap3A_729] {strides = array<i32>} : memref<32x1000xf32, #tpu.memory_space<vmem>>, vector<16xf32>,
      tpu.vector_store %arg5[%swap3A_728, %swap3A_729], %broadcast_in_dim3A_3 {strides = array<i32>} : memref<32x1000xf32, #tpu.memory_space<vmem>>, vector<16xf32>,
      %swap3A_731 = arith.index_cast %scan3A_469 : i32 to index
      %swap3A_732 = arith.constant 688 : index
      %swap3A_733 = tpu.vector_load %arg6[%swap3A_731, %swap3A_732] {strides = array<i32>} : memref<32x1000xf32, #tpu.memory_space<vmem>>, vector<16xf32>,
      tpu.vector_store %arg6[%swap3A_731, %swap3A_732], %broadcast_in_dim3A_3 {strides = array<i32>} : memref<32x1000xf32, #tpu.memory_space<vmem>>, vector<16xf32>,
      %swap3A_734 = arith.index_cast %scan3A_469 : i32 to index
      %swap3A_735 = arith.constant 704 : index
      %swap3A_736 = tpu.vector_load %arg5[%swap3A_734, %swap3A_735] {strides = array<i32>} : memref<32x1000xf32, #tpu.memory_space<vmem>>, vector<16xf32>,
      tpu.vector_store %arg5[%swap3A_734, %swap3A_735], %broadcast_in_dim3A_3 {strides = array<i32>} : memref<32x1000xf32, #tpu.memory_space<vmem>>, vector<16xf32>,
      %swap3A_737 = arith.index_cast %scan3A_469 : i32 to index
      %swap3A_738 = arith.constant 704 : index
      %swap3A_739 = tpu.vector_load %arg6[%swap3A_737, %swap3A_738] {strides = array<i32>} : memref<32x1000xf32, #tpu.memory_space<vmem>>, vector<16xf32>,
      tpu.vector_store %arg6[%swap3A_737, %swap3A_738], %broadcast_in_dim3A_3 {strides = array<i32>} : memref<32x1000xf32, #tpu.memory_space<vmem>>, vector<16xf32>,
      %swap3A_740 = arith.index_cast %scan3A_469 : i32 to index
      %swap3A_741 = arith.constant 720 : index
      %swap3A_742 = tpu.vector_load %arg5[%swap3A_740, %swap3A_741] {strides = array<i32>} : memref<32x1000xf32, #tpu.memory_space<vmem>>, vector<16xf32>,
      tpu.vector_store %arg5[%swap3A_740, %swap3A_741], %broadcast_in_dim3A_3 {strides = array<i32>} : memref<32x1000xf32, #tpu.memory_space<vmem>>, vector<16xf32>,
      %swap3A_743 = arith.index_cast %scan3A_469 : i32 to index
      %swap3A_744 = arith.constant 720 : index
      %swap3A_745 = tpu.vector_load %arg6[%swap3A_743, %swap3A_744] {strides = array<i32>} : memref<32x1000xf32, #tpu.memory_space<vmem>>, vector<16xf32>,
      tpu.vector_store %arg6[%swap3A_743, %swap3A_744], %broadcast_in_dim3A_3 {strides = array<i32>} : memref<32x1000xf32, #tpu.memory_space<vmem>>, vector<16xf32>,
      %swap3A_746 = arith.index_cast %scan3A_469 : i32 to index
      %swap3A_747 = arith.constant 736 : index
      %swap3A_748 = tpu.vector_load %arg5[%swap3A_746, %swap3A_747] {strides = array<i32>} : memref<32x1000xf32, #tpu.memory_space<vmem>>, vector<16xf32>,
      tpu.vector_store %arg5[%swap3A_746, %swap3A_747], %broadcast_in_dim3A_3 {strides = array<i32>} : memref<32x1000xf32, #tpu.memory_space<vmem>>, vector<16xf32>,
      %swap3A_749 = arith.index_cast %scan3A_469 : i32 to index
      %swap3A_750 = arith.constant 736 : index
      %swap3A_751 = tpu.vector_load %arg6[%swap3A_749, %swap3A_750] {strides = array<i32>} : memref<32x1000xf32, #tpu.memory_space<vmem>>, vector<16xf32>,
      tpu.vector_store %arg6[%swap3A_749, %swap3A_750], %broadcast_in_dim3A_3 {strides = array<i32>} : memref<32x1000xf32, #tpu.memory_space<vmem>>, vector<16xf32>,
      %swap3A_752 = arith.index_cast %scan3A_469 : i32 to index
      %swap3A_753 = arith.constant 752 : index
      %swap3A_754 = tpu.vector_load %arg5[%swap3A_752, %swap3A_753] {strides = array<i32>} : memref<32x1000xf32, #tpu.memory_space<vmem>>, vector<16xf32>,
      tpu.vector_store %arg5[%swap3A_752, %swap3A_753], %broadcast_in_dim3A_3 {strides = array<i32>} : memref<32x1000xf32, #tpu.memory_space<vmem>>, vector<16xf32>,
      %swap3A_755 = arith.index_cast %scan3A_469 : i32 to index
      %swap3A_756 = arith.constant 752 : index
      %swap3A_757 = tpu.vector_load %arg6[%swap3A_755, %swap3A_756] {strides = array<i32>} : memref<32x1000xf32, #tpu.memory_space<vmem>>, vector<16xf32>,
      tpu.vector_store %arg6[%swap3A_755, %swap3A_756], %broadcast_in_dim3A_3 {strides = array<i32>} : memref<32x1000xf32, #tpu.memory_space<vmem>>, vector<16xf32>,
      %swap3A_758 = arith.index_cast %scan3A_469 : i32 to index
      %swap3A_759 = arith.constant 768 : index
      %swap3A_760 = tpu.vector_load %arg5[%swap3A_758, %swap3A_759] {strides = array<i32>} : memref<32x1000xf32, #tpu.memory_space<vmem>>, vector<16xf32>,
      tpu.vector_store %arg5[%swap3A_758, %swap3A_759], %broadcast_in_dim3A_3 {strides = array<i32>} : memref<32x1000xf32, #tpu.memory_space<vmem>>, vector<16xf32>,
      %swap3A_761 = arith.index_cast %scan3A_469 : i32 to index
      %swap3A_762 = arith.constant 768 : index
      %swap3A_763 = tpu.vector_load %arg6[%swap3A_761, %swap3A_762] {strides = array<i32>} : memref<32x1000xf32, #tpu.memory_space<vmem>>, vector<16xf32>,
      tpu.vector_store %arg6[%swap3A_761, %swap3A_762], %broadcast_in_dim3A_3 {strides = array<i32>} : memref<32x1000xf32, #tpu.memory_space<vmem>>, vector<16xf32>,
      %swap3A_764 = arith.index_cast %scan3A_469 : i32 to index
      %swap3A_765 = arith.constant 784 : index
      %swap3A_766 = tpu.vector_load %arg5[%swap3A_764, %swap3A_765] {strides = array<i32>} : memref<32x1000xf32, #tpu.memory_space<vmem>>, vector<16xf32>,
      tpu.vector_store %arg5[%swap3A_764, %swap3A_765], %broadcast_in_dim3A_3 {strides = array<i32>} : memref<32x1000xf32, #tpu.memory_space<vmem>>, vector<16xf32>,
      %swap3A_767 = arith.index_cast %scan3A_469 : i32 to index
      %swap3A_768 = arith.constant 784 : index
      %swap3A_769 = tpu.vector_load %arg6[%swap3A_767, %swap3A_768] {strides = array<i32>} : memref<32x1000xf32, #tpu.memory_space<vmem>>, vector<16xf32>,
      tpu.vector_store %arg6[%swap3A_767, %swap3A_768], %broadcast_in_dim3A_3 {strides = array<i32>} : memref<32x1000xf32, #tpu.memory_space<vmem>>, vector<16xf32>,
      %swap3A_770 = arith.index_cast %scan3A_469 : i32 to index
      %swap3A_771 = arith.constant 800 : index
      %swap3A_772 = tpu.vector_load %arg5[%swap3A_770, %swap3A_771] {strides = array<i32>} : memref<32x1000xf32, #tpu.memory_space<vmem>>, vector<16xf32>,
      tpu.vector_store %arg5[%swap3A_770, %swap3A_771], %broadcast_in_dim3A_3 {strides = array<i32>} : memref<32x1000xf32, #tpu.memory_space<vmem>>, vector<16xf32>,
      %swap3A_773 = arith.index_cast %scan3A_469 : i32 to index
      %swap3A_774 = arith.constant 800 : index
      %swap3A_775 = tpu.vector_load %arg6[%swap3A_773, %swap3A_774] {strides = array<i32>} : memref<32x1000xf32, #tpu.memory_space<vmem>>, vector<16xf32>,
      tpu.vector_store %arg6[%swap3A_773, %swap3A_774], %broadcast_in_dim3A_3 {strides = array<i32>} : memref<32x1000xf32, #tpu.memory_space<vmem>>, vector<16xf32>,
      %swap3A_776 = arith.index_cast %scan3A_469 : i32 to index
      %swap3A_777 = arith.constant 816 : index
      %swap3A_778 = tpu.vector_load %arg5[%swap3A_776, %swap3A_777] {strides = array<i32>} : memref<32x1000xf32, #tpu.memory_space<vmem>>, vector<16xf32>,
      tpu.vector_store %arg5[%swap3A_776, %swap3A_777], %broadcast_in_dim3A_3 {strides = array<i32>} : memref<32x1000xf32, #tpu.memory_space<vmem>>, vector<16xf32>,
      %swap3A_779 = arith.index_cast %scan3A_469 : i32 to index
      %swap3A_780 = arith.constant 816 : index
      %swap3A_781 = tpu.vector_load %arg6[%swap3A_779, %swap3A_780] {strides = array<i32>} : memref<32x1000xf32, #tpu.memory_space<vmem>>, vector<16xf32>,
      tpu.vector_store %arg6[%swap3A_779, %swap3A_780], %broadcast_in_dim3A_3 {strides = array<i32>} : memref<32x1000xf32, #tpu.memory_space<vmem>>, vector<16xf32>,
      %swap3A_782 = arith.index_cast %scan3A_469 : i32 to index
      %swap3A_783 = arith.constant 832 : index
      %swap3A_784 = tpu.vector_load %arg5[%swap3A_782, %swap3A_783] {strides = array<i32>} : memref<32x1000xf32, #tpu.memory_space<vmem>>, vector<16xf32>,
      tpu.vector_store %arg5[%swap3A_782, %swap3A_783], %broadcast_in_dim3A_3 {strides = array<i32>} : memref<32x1000xf32, #tpu.memory_space<vmem>>, vector<16xf32>,
      %swap3A_785 = arith.index_cast %scan3A_469 : i32 to index
      %swap3A_786 = arith.constant 832 : index
      %swap3A_787 = tpu.vector_load %arg6[%swap3A_785, %swap3A_786] {strides = array<i32>} : memref<32x1000xf32, #tpu.memory_space<vmem>>, vector<16xf32>,
      tpu.vector_store %arg6[%swap3A_785, %swap3A_786], %broadcast_in_dim3A_3 {strides = array<i32>} : memref<32x1000xf32, #tpu.memory_space<vmem>>, vector<16xf32>,
      %swap3A_788 = arith.index_cast %scan3A_469 : i32 to index
      %swap3A_789 = arith.constant 848 : index
      %swap3A_790 = tpu.vector_load %arg5[%swap3A_788, %swap3A_789] {strides = array<i32>} : memref<32x1000xf32, #tpu.memory_space<vmem>>, vector<16xf32>,
      tpu.vector_store %arg5[%swap3A_788, %swap3A_789], %broadcast_in_dim3A_3 {strides = array<i32>} : memref<32x1000xf32, #tpu.memory_space<vmem>>, vector<16xf32>,
      %swap3A_791 = arith.index_cast %scan3A_469 : i32 to index
      %swap3A_792 = arith.constant 848 : index
      %swap3A_793 = tpu.vector_load %arg6[%swap3A_791, %swap3A_792] {strides = array<i32>} : memref<32x1000xf32, #tpu.memory_space<vmem>>, vector<16xf32>,
      tpu.vector_store %arg6[%swap3A_791, %swap3A_792], %broadcast_in_dim3A_3 {strides = array<i32>} : memref<32x1000xf32, #tpu.memory_space<vmem>>, vector<16xf32>,
      %swap3A_794 = arith.index_cast %scan3A_469 : i32 to index
      %swap3A_795 = arith.constant 864 : index
      %swap3A_796 = tpu.vector_load %arg5[%swap3A_794, %swap3A_795] {strides = array<i32>} : memref<32x1000xf32, #tpu.memory_space<vmem>>, vector<16xf32>,
      tpu.vector_store %arg5[%swap3A_794, %swap3A_795], %broadcast_in_dim3A_3 {strides = array<i32>} : memref<32x1000xf32, #tpu.memory_space<vmem>>, vector<16xf32>,
      %swap3A_797 = arith.index_cast %scan3A_469 : i32 to index
      %swap3A_798 = arith.constant 864 : index
      %swap3A_799 = tpu.vector_load %arg6[%swap3A_797, %swap3A_798] {strides = array<i32>} : memref<32x1000xf32, #tpu.memory_space<vmem>>, vector<16xf32>,
      tpu.vector_store %arg6[%swap3A_797, %swap3A_798], %broadcast_in_dim3A_3 {strides = array<i32>} : memref<32x1000xf32, #tpu.memory_space<vmem>>, vector<16xf32>,
      %swap3A_800 = arith.index_cast %scan3A_469 : i32 to index
      %swap3A_801 = arith.constant 880 : index
      %swap3A_802 = tpu.vector_load %arg5[%swap3A_800, %swap3A_801] {strides = array<i32>} : memref<32x1000xf32, #tpu.memory_space<vmem>>, vector<16xf32>,
      tpu.vector_store %arg5[%swap3A_800, %swap3A_801], %broadcast_in_dim3A_3 {strides = array<i32>} : memref<32x1000xf32, #tpu.memory_space<vmem>>, vector<16xf32>,
      %swap3A_803 = arith.index_cast %scan3A_469 : i32 to index
      %swap3A_804 = arith.constant 880 : index
      %swap3A_805 = tpu.vector_load %arg6[%swap3A_803, %swap3A_804] {strides = array<i32>} : memref<32x1000xf32, #tpu.memory_space<vmem>>, vector<16xf32>,
      tpu.vector_store %arg6[%swap3A_803, %swap3A_804], %broadcast_in_dim3A_3 {strides = array<i32>} : memref<32x1000xf32, #tpu.memory_space<vmem>>, vector<16xf32>,
      %swap3A_806 = arith.index_cast %scan3A_469 : i32 to index
      %swap3A_807 = arith.constant 896 : index
      %swap3A_808 = tpu.vector_load %arg5[%swap3A_806, %swap3A_807] {strides = array<i32>} : memref<32x1000xf32, #tpu.memory_space<vmem>>, vector<16xf32>,
      tpu.vector_store %arg5[%swap3A_806, %swap3A_807], %broadcast_in_dim3A_3 {strides = array<i32>} : memref<32x1000xf32, #tpu.memory_space<vmem>>, vector<16xf32>,
      %swap3A_809 = arith.index_cast %scan3A_469 : i32 to index
      %swap3A_810 = arith.constant 896 : index
      %swap3A_811 = tpu.vector_load %arg6[%swap3A_809, %swap3A_810] {strides = array<i32>} : memref<32x1000xf32, #tpu.memory_space<vmem>>, vector<16xf32>,
      tpu.vector_store %arg6[%swap3A_809, %swap3A_810], %broadcast_in_dim3A_3 {strides = array<i32>} : memref<32x1000xf32, #tpu.memory_space<vmem>>, vector<16xf32>,
      %swap3A_812 = arith.index_cast %scan3A_469 : i32 to index
      %swap3A_813 = arith.constant 912 : index
      %swap3A_814 = tpu.vector_load %arg5[%swap3A_812, %swap3A_813] {strides = array<i32>} : memref<32x1000xf32, #tpu.memory_space<vmem>>, vector<16xf32>,
      tpu.vector_store %arg5[%swap3A_812, %swap3A_813], %broadcast_in_dim3A_3 {strides = array<i32>} : memref<32x1000xf32, #tpu.memory_space<vmem>>, vector<16xf32>,
      %swap3A_815 = arith.index_cast %scan3A_469 : i32 to index
      %swap3A_816 = arith.constant 912 : index
      %swap3A_817 = tpu.vector_load %arg6[%swap3A_815, %swap3A_816] {strides = array<i32>} : memref<32x1000xf32, #tpu.memory_space<vmem>>, vector<16xf32>,
      tpu.vector_store %arg6[%swap3A_815, %swap3A_816], %broadcast_in_dim3A_3 {strides = array<i32>} : memref<32x1000xf32, #tpu.memory_space<vmem>>, vector<16xf32>,
      %swap3A_818 = arith.index_cast %scan3A_469 : i32 to index
      %swap3A_819 = arith.constant 928 : index
      %swap3A_820 = tpu.vector_load %arg5[%swap3A_818, %swap3A_819] {strides = array<i32>} : memref<32x1000xf32, #tpu.memory_space<vmem>>, vector<16xf32>,
      tpu.vector_store %arg5[%swap3A_818, %swap3A_819], %broadcast_in_dim3A_3 {strides = array<i32>} : memref<32x1000xf32, #tpu.memory_space<vmem>>, vector<16xf32>,
      %swap3A_821 = arith.index_cast %scan3A_469 : i32 to index
      %swap3A_822 = arith.constant 928 : index
      %swap3A_823 = tpu.vector_load %arg6[%swap3A_821, %swap3A_822] {strides = array<i32>} : memref<32x1000xf32, #tpu.memory_space<vmem>>, vector<16xf32>,
      tpu.vector_store %arg6[%swap3A_821, %swap3A_822], %broadcast_in_dim3A_3 {strides = array<i32>} : memref<32x1000xf32, #tpu.memory_space<vmem>>, vector<16xf32>,
      %swap3A_824 = arith.index_cast %scan3A_469 : i32 to index
      %swap3A_825 = arith.constant 944 : index
      %swap3A_826 = tpu.vector_load %arg5[%swap3A_824, %swap3A_825] {strides = array<i32>} : memref<32x1000xf32, #tpu.memory_space<vmem>>, vector<16xf32>,
      tpu.vector_store %arg5[%swap3A_824, %swap3A_825], %broadcast_in_dim3A_3 {strides = array<i32>} : memref<32x1000xf32, #tpu.memory_space<vmem>>, vector<16xf32>,
      %swap3A_827 = arith.index_cast %scan3A_469 : i32 to index
      %swap3A_828 = arith.constant 944 : index
      %swap3A_829 = tpu.vector_load %arg6[%swap3A_827, %swap3A_828] {strides = array<i32>} : memref<32x1000xf32, #tpu.memory_space<vmem>>, vector<16xf32>,
      tpu.vector_store %arg6[%swap3A_827, %swap3A_828], %broadcast_in_dim3A_3 {strides = array<i32>} : memref<32x1000xf32, #tpu.memory_space<vmem>>, vector<16xf32>,
      %swap3A_830 = arith.index_cast %scan3A_469 : i32 to index
      %swap3A_831 = arith.constant 960 : index
      %swap3A_832 = tpu.vector_load %arg5[%swap3A_830, %swap3A_831] {strides = array<i32>} : memref<32x1000xf32, #tpu.memory_space<vmem>>, vector<16xf32>,
      tpu.vector_store %arg5[%swap3A_830, %swap3A_831], %broadcast_in_dim3A_3 {strides = array<i32>} : memref<32x1000xf32, #tpu.memory_space<vmem>>, vector<16xf32>,
      %swap3A_833 = arith.index_cast %scan3A_469 : i32 to index
      %swap3A_834 = arith.constant 960 : index
      %swap3A_835 = tpu.vector_load %arg6[%swap3A_833, %swap3A_834] {strides = array<i32>} : memref<32x1000xf32, #tpu.memory_space<vmem>>, vector<16xf32>,
      tpu.vector_store %arg6[%swap3A_833, %swap3A_834], %broadcast_in_dim3A_3 {strides = array<i32>} : memref<32x1000xf32, #tpu.memory_space<vmem>>, vector<16xf32>,
      %swap3A_836 = arith.index_cast %scan3A_469 : i32 to index
      %swap3A_837 = arith.constant 976 : index
      %swap3A_838 = tpu.vector_load %arg5[%swap3A_836, %swap3A_837] {strides = array<i32>} : memref<32x1000xf32, #tpu.memory_space<vmem>>, vector<16xf32>,
      tpu.vector_store %arg5[%swap3A_836, %swap3A_837], %broadcast_in_dim3A_3 {strides = array<i32>} : memref<32x1000xf32, #tpu.memory_space<vmem>>, vector<16xf32>,
      %swap3A_839 = arith.index_cast %scan3A_469 : i32 to index
      %swap3A_840 = arith.constant 976 : index
      %swap3A_841 = tpu.vector_load %arg6[%swap3A_839, %swap3A_840] {strides = array<i32>} : memref<32x1000xf32, #tpu.memory_space<vmem>>, vector<16xf32>,
      tpu.vector_store %arg6[%swap3A_839, %swap3A_840], %broadcast_in_dim3A_3 {strides = array<i32>} : memref<32x1000xf32, #tpu.memory_space<vmem>>, vector<16xf32>,
      %swap3A_842 = arith.index_cast %scan3A_469 : i32 to index
      %swap3A_843 = arith.constant 984 : index
      %swap3A_844 = tpu.vector_load %arg5[%swap3A_842, %swap3A_843] {strides = array<i32>} : memref<32x1000xf32, #tpu.memory_space<vmem>>, vector<16xf32>,
      tpu.vector_store %arg5[%swap3A_842, %swap3A_843], %broadcast_in_dim3A_3 {strides = array<i32>} : memref<32x1000xf32, #tpu.memory_space<vmem>>, vector<16xf32>,
      %swap3A_845 = arith.index_cast %scan3A_469 : i32 to index
      %swap3A_846 = arith.constant 984 : index
      %swap3A_847 = tpu.vector_load %arg6[%swap3A_845, %swap3A_846] {strides = array<i32>} : memref<32x1000xf32, #tpu.memory_space<vmem>>, vector<16xf32>,
      tpu.vector_store %arg6[%swap3A_845, %swap3A_846], %broadcast_in_dim3A_3 {strides = array<i32>} : memref<32x1000xf32, #tpu.memory_space<vmem>>, vector<16xf32>,
      %scan3A_848 = arith.constant 0 : i32
      scf.yield %scan3A_848 : i32
    }
    %scan3A_11 = arith.constant 32 : i32
    %get3A = arith.constant 0 : index
    %get3A_12 = tpu.vector_load %arg4[%get3A] {strides = array<i32>} : memref<512xi32, #tpu.memory_space<vmem>>, vector<16xi32>,
    %add3A_13 = arith.constant 0 : i32
    %add3A_14 = vector.broadcast %add3A_13 : i32 to vector<16xi32>
    %add3A_15 = arith.addi %iota3A, %add3A_14 : vector<16xi32>
    tpu.vector_store_idx %arg5[%add3A_15, %get3A_12], %broadcast_in_dim3A_5 : memref<32x1000xf32, #tpu.memory_space<vmem>>[vector<16xi32>, vector<16xi32>], vector<16xf32>,
    %get3A_16 = arith.constant 16 : index
    %get3A_17 = tpu.vector_load %arg4[%get3A_16] {strides = array<i32>} : memref<512xi32, #tpu.memory_space<vmem>>, vector<16xi32>,
    %add3A_18 = arith.constant 16 : i32
    %add3A_19 = vector.broadcast %add3A_18 : i32 to vector<16xi32>
    %add3A_20 = arith.addi %iota3A, %add3A_19 : vector<16xi32>
    tpu.vector_store_idx %arg5[%add3A_20, %get3A_17], %broadcast_in_dim3A_5 : memref<32x1000xf32, #tpu.memory_space<vmem>>[vector<16xi32>, vector<16xi32>], vector<16xf32>,
    %add3A_21 = arith.constant 0 : i32
    %add3A_22 = arith.addi %mul3A_2, %add3A_21 : i32
    %dma_start3A = arith.constant 0 : i32
    %dma_start3A_23 = tpu.memref_slice %arg3[%add3A_22, %dma_start3A] : memref<16384x1000xf32, #tpu.memory_space<hbm>> -> memref<32x1000xf32, #tpu.memory_space<hbm>>
    %dma_start3A_24 = arith.constant 0 : i32
    %dma_start3A_25 = tpu.memref_slice %arg3[%add3A_22, %dma_start3A_24] : memref<16384x1000xf32, #tpu.memory_space<hbm>> -> memref<32x1000xf32, #tpu.memory_space<hbm>>
    tpu.enqueue_dma source(%arg5 : memref<32x1000xf32, #tpu.memory_space<vmem>>) target(%dma_start3A_25 : memref<32x1000xf32, #tpu.memory_space<hbm>>) target_semaphore(%arg7 : memref<!tpu.dma_semaphore, #tpu.memory_space<semaphore_mem>>)
    %get3A_26 = arith.constant 32 : index
    %get3A_27 = tpu.vector_load %arg4[%get3A_26] {strides = array<i32>} : memref<512xi32, #tpu.memory_space<vmem>>, vector<16xi32>,
    %add3A_28 = arith.constant 0 : i32
    %add3A_29 = vector.broadcast %add3A_28 : i32 to vector<16xi32>
    %add3A_30 = arith.addi %iota3A, %add3A_29 : vector<16xi32>
    tpu.vector_store_idx %arg6[%add3A_30, %get3A_27], %broadcast_in_dim3A_5 : memref<32x1000xf32, #tpu.memory_space<vmem>>[vector<16xi32>, vector<16xi32>], vector<16xf32>,
    %get3A_31 = arith.constant 48 : index
    %get3A_32 = tpu.vector_load %arg4[%get3A_31] {strides = array<i32>} : memref<512xi32, #tpu.memory_space<vmem>>, vector<16xi32>,
    %add3A_33 = arith.constant 16 : i32
    %add3A_34 = vector.broadcast %add3A_33 : i32 to vector<16xi32>
    %add3A_35 = arith.addi %iota3A, %add3A_34 : vector<16xi32>
    tpu.vector_store_idx %arg6[%add3A_35, %get3A_32], %broadcast_in_dim3A_5 : memref<32x1000xf32, #tpu.memory_space<vmem>>[vector<16xi32>, vector<16xi32>], vector<16xf32>,
    %add3A_36 = arith.constant 32 : i32
    %add3A_37 = arith.addi %mul3A_2, %add3A_36 : i32
    %dma_start3A_38 = arith.constant 0 : i32
    %dma_start3A_39 = tpu.memref_slice %arg3[%add3A_37, %dma_start3A_38] : memref<16384x1000xf32, #tpu.memory_space<hbm>> -> memref<32x1000xf32, #tpu.memory_space<hbm>>
    %dma_start3A_40 = arith.constant 0 : i32
    %dma_start3A_41 = tpu.memref_slice %arg3[%add3A_37, %dma_start3A_40] : memref<16384x1000xf32, #tpu.memory_space<hbm>> -> memref<32x1000xf32, #tpu.memory_space<hbm>>
    tpu.enqueue_dma source(%arg6 : memref<32x1000xf32, #tpu.memory_space<vmem>>) target(%dma_start3A_41 : memref<32x1000xf32, #tpu.memory_space<hbm>>) target_semaphore(%arg8 : memref<!tpu.dma_semaphore, #tpu.memory_space<semaphore_mem>>)
    %dma_wait3A = arith.constant 0 : i32
    %dma_wait3A_42 = tpu.memref_slice %arg3[%add3A_22, %dma_wait3A] : memref<16384x1000xf32, #tpu.memory_space<hbm>> -> memref<32x1000xf32, #tpu.memory_space<hbm>>
    %dma_wait3A_43 = arith.constant 0 : i32
    %dma_wait3A_44 = tpu.memref_slice %arg3[%add3A_22, %dma_wait3A_43] : memref<16384x1000xf32, #tpu.memory_space<hbm>> -> memref<32x1000xf32, #tpu.memory_space<hbm>>
    tpu.wait_dma2 semaphore(%arg7 : memref<!tpu.dma_semaphore, #tpu.memory_space<semaphore_mem>>) src(%arg5 : memref<32x1000xf32, #tpu.memory_space<vmem>>) dst(%dma_wait3A_44 : memref<32x1000xf32, #tpu.memory_space<hbm>>)
    %get3A_45 = arith.constant 0 : index
    %get3A_46 = tpu.vector_load %arg4[%get3A_45] {strides = array<i32>} : memref<512xi32, #tpu.memory_space<vmem>>, vector<16xi32>,
    %add3A_47 = arith.constant 0 : i32
    %add3A_48 = vector.broadcast %add3A_47 : i32 to vector<16xi32>
    %add3A_49 = arith.addi %iota3A, %add3A_48 : vector<16xi32>
    tpu.vector_store_idx %arg5[%add3A_49, %get3A_46], %broadcast_in_dim3A_3 : memref<32x1000xf32, #tpu.memory_space<vmem>>[vector<16xi32>, vector<16xi32>], vector<16xf32>,
    %get3A_50 = arith.constant 16 : index
    %get3A_51 = tpu.vector_load %arg4[%get3A_50] {strides = array<i32>} : memref<512xi32, #tpu.memory_space<vmem>>, vector<16xi32>,
    %add3A_52 = arith.constant 16 : i32
    %add3A_53 = vector.broadcast %add3A_52 : i32 to vector<16xi32>
    %add3A_54 = arith.addi %iota3A, %add3A_53 : vector<16xi32>
    tpu.vector_store_idx %arg5[%add3A_54, %get3A_51], %broadcast_in_dim3A_3 : memref<32x1000xf32, #tpu.memory_space<vmem>>[vector<16xi32>, vector<16xi32>], vector<16xf32>,
    %get3A_55 = arith.constant 64 : index
    %get3A_56 = tpu.vector_load %arg4[%get3A_55] {strides = array<i32>} : memref<512xi32, #tpu.memory_space<vmem>>, vector<16xi32>,
    %add3A_57 = arith.constant 0 : i32
    %add3A_58 = vector.broadcast %add3A_57 : i32 to vector<16xi32>
    %add3A_59 = arith.addi %iota3A, %add3A_58 : vector<16xi32>
    tpu.vector_store_idx %arg5[%add3A_59, %get3A_56], %broadcast_in_dim3A_5 : memref<32x1000xf32, #tpu.memory_space<vmem>>[vector<16xi32>, vector<16xi32>], vector<16xf32>,
    %get3A_60 = arith.constant 80 : index
    %get3A_61 = tpu.vector_load %arg4[%get3A_60] {strides = array<i32>} : memref<512xi32, #tpu.memory_space<vmem>>, vector<16xi32>,
    %add3A_62 = arith.constant 16 : i32
    %add3A_63 = vector.broadcast %add3A_62 : i32 to vector<16xi32>
    %add3A_64 = arith.addi %iota3A, %add3A_63 : vector<16xi32>
    tpu.vector_store_idx %arg5[%add3A_64, %get3A_61], %broadcast_in_dim3A_5 : memref<32x1000xf32, #tpu.memory_space<vmem>>[vector<16xi32>, vector<16xi32>], vector<16xf32>,
    %add3A_65 = arith.constant 64 : i32
    %add3A_66 = arith.addi %mul3A_2, %add3A_65 : i32
    %dma_start3A_67 = arith.constant 0 : i32
    %dma_start3A_68 = tpu.memref_slice %arg3[%add3A_66, %dma_start3A_67] : memref<16384x1000xf32, #tpu.memory_space<hbm>> -> memref<32x1000xf32, #tpu.memory_space<hbm>>
    %dma_start3A_69 = arith.constant 0 : i32
    %dma_start3A_70 = tpu.memref_slice %arg3[%add3A_66, %dma_start3A_69] : memref<16384x1000xf32, #tpu.memory_space<hbm>> -> memref<32x1000xf32, #tpu.memory_space<hbm>>
    tpu.enqueue_dma source(%arg5 : memref<32x1000xf32, #tpu.memory_space<vmem>>) target(%dma_start3A_70 : memref<32x1000xf32, #tpu.memory_space<hbm>>) target_semaphore(%arg7 : memref<!tpu.dma_semaphore, #tpu.memory_space<semaphore_mem>>)
    %dma_wait3A_71 = arith.constant 0 : i32
    %dma_wait3A_72 = tpu.memref_slice %arg3[%add3A_37, %dma_wait3A_71] : memref<16384x1000xf32, #tpu.memory_space<hbm>> -> memref<32x1000xf32, #tpu.memory_space<hbm>>
    %dma_wait3A_73 = arith.constant 0 : i32
    %dma_wait3A_74 = tpu.memref_slice %arg3[%add3A_37, %dma_wait3A_73] : memref<16384x1000xf32, #tpu.memory_space<hbm>> -> memref<32x1000xf32, #tpu.memory_space<hbm>>
    tpu.wait_dma2 semaphore(%arg8 : memref<!tpu.dma_semaphore, #tpu.memory_space<semaphore_mem>>) src(%arg6 : memref<32x1000xf32, #tpu.memory_space<vmem>>) dst(%dma_wait3A_74 : memref<32x1000xf32, #tpu.memory_space<hbm>>)
    %get3A_75 = arith.constant 32 : index
    %get3A_76 = tpu.vector_load %arg4[%get3A_75] {strides = array<i32>} : memref<512xi32, #tpu.memory_space<vmem>>, vector<16xi32>,
    %add3A_77 = arith.constant 0 : i32
    %add3A_78 = vector.broadcast %add3A_77 : i32 to vector<16xi32>
    %add3A_79 = arith.addi %iota3A, %add3A_78 : vector<16xi32>
    tpu.vector_store_idx %arg6[%add3A_79, %get3A_76], %broadcast_in_dim3A_3 : memref<32x1000xf32, #tpu.memory_space<vmem>>[vector<16xi32>, vector<16xi32>], vector<16xf32>,
    %get3A_80 = arith.constant 48 : index
    %get3A_81 = tpu.vector_load %arg4[%get3A_80] {strides = array<i32>} : memref<512xi32, #tpu.memory_space<vmem>>, vector<16xi32>,
    %add3A_82 = arith.constant 16 : i32
    %add3A_83 = vector.broadcast %add3A_82 : i32 to vector<16xi32>
    %add3A_84 = arith.addi %iota3A, %add3A_83 : vector<16xi32>
    tpu.vector_store_idx %arg6[%add3A_84, %get3A_81], %broadcast_in_dim3A_3 : memref<32x1000xf32, #tpu.memory_space<vmem>>[vector<16xi32>, vector<16xi32>], vector<16xf32>,
    %get3A_85 = arith.constant 96 : index
    %get3A_86 = tpu.vector_load %arg4[%get3A_85] {strides = array<i32>} : memref<512xi32, #tpu.memory_space<vmem>>, vector<16xi32>,
    %add3A_87 = arith.constant 0 : i32
    %add3A_88 = vector.broadcast %add3A_87 : i32 to vector<16xi32>
    %add3A_89 = arith.addi %iota3A, %add3A_88 : vector<16xi32>
    tpu.vector_store_idx %arg6[%add3A_89, %get3A_86], %broadcast_in_dim3A_5 : memref<32x1000xf32, #tpu.memory_space<vmem>>[vector<16xi32>, vector<16xi32>], vector<16xf32>,
    %get3A_90 = arith.constant 112 : index
    %get3A_91 = tpu.vector_load %arg4[%get3A_90] {strides = array<i32>} : memref<512xi32, #tpu.memory_space<vmem>>, vector<16xi32>,
    %add3A_92 = arith.constant 16 : i32
    %add3A_93 = vector.broadcast %add3A_92 : i32 to vector<16xi32>
    %add3A_94 = arith.addi %iota3A, %add3A_93 : vector<16xi32>
    tpu.vector_store_idx %arg6[%add3A_94, %get3A_91], %broadcast_in_dim3A_5 : memref<32x1000xf32, #tpu.memory_space<vmem>>[vector<16xi32>, vector<16xi32>], vector<16xf32>,
    %add3A_95 = arith.constant 96 : i32
    %add3A_96 = arith.addi %mul3A_2, %add3A_95 : i32
    %dma_start3A_97 = arith.constant 0 : i32
    %dma_start3A_98 = tpu.memref_slice %arg3[%add3A_96, %dma_start3A_97] : memref<16384x1000xf32, #tpu.memory_space<hbm>> -> memref<32x1000xf32, #tpu.memory_space<hbm>>
    %dma_start3A_99 = arith.constant 0 : i32
    %dma_start3A_100 = tpu.memref_slice %arg3[%add3A_96, %dma_start3A_99] : memref<16384x1000xf32, #tpu.memory_space<hbm>> -> memref<32x1000xf32, #tpu.memory_space<hbm>>
    tpu.enqueue_dma source(%arg6 : memref<32x1000xf32, #tpu.memory_space<vmem>>) target(%dma_start3A_100 : memref<32x1000xf32, #tpu.memory_space<hbm>>) target_semaphore(%arg8 : memref<!tpu.dma_semaphore, #tpu.memory_space<semaphore_mem>>)
    %dma_wait3A_101 = arith.constant 0 : i32
    %dma_wait3A_102 = tpu.memref_slice %arg3[%add3A_66, %dma_wait3A_101] : memref<16384x1000xf32, #tpu.memory_space<hbm>> -> memref<32x1000xf32, #tpu.memory_space<hbm>>
    %dma_wait3A_103 = arith.constant 0 : i32
    %dma_wait3A_104 = tpu.memref_slice %arg3[%add3A_66, %dma_wait3A_103] : memref<16384x1000xf32, #tpu.memory_space<hbm>> -> memref<32x1000xf32, #tpu.memory_space<hbm>>
    tpu.wait_dma2 semaphore(%arg7 : memref<!tpu.dma_semaphore, #tpu.memory_space<semaphore_mem>>) src(%arg5 : memref<32x1000xf32, #tpu.memory_space<vmem>>) dst(%dma_wait3A_104 : memref<32x1000xf32, #tpu.memory_space<hbm>>)
    %get3A_105 = arith.constant 64 : index
    %get3A_106 = tpu.vector_load %arg4[%get3A_105] {strides = array<i32>} : memref<512xi32, #tpu.memory_space<vmem>>, vector<16xi32>,
    %add3A_107 = arith.constant 0 : i32
    %add3A_108 = vector.broadcast %add3A_107 : i32 to vector<16xi32>
    %add3A_109 = arith.addi %iota3A, %add3A_108 : vector<16xi32>
    tpu.vector_store_idx %arg5[%add3A_109, %get3A_106], %broadcast_in_dim3A_3 : memref<32x1000xf32, #tpu.memory_space<vmem>>[vector<16xi32>, vector<16xi32>], vector<16xf32>,
    %get3A_110 = arith.constant 80 : index
    %get3A_111 = tpu.vector_load %arg4[%get3A_110] {strides = array<i32>} : memref<512xi32, #tpu.memory_space<vmem>>, vector<16xi32>,
    %add3A_112 = arith.constant 16 : i32
    %add3A_113 = vector.broadcast %add3A_112 : i32 to vector<16xi32>
    %add3A_114 = arith.addi %iota3A, %add3A_113 : vector<16xi32>
    tpu.vector_store_idx %arg5[%add3A_114, %get3A_111], %broadcast_in_dim3A_3 : memref<32x1000xf32, #tpu.memory_space<vmem>>[vector<16xi32>, vector<16xi32>], vector<16xf32>,
    %get3A_115 = arith.constant 128 : index
    %get3A_116 = tpu.vector_load %arg4[%get3A_115] {strides = array<i32>} : memref<512xi32, #tpu.memory_space<vmem>>, vector<16xi32>,
    %add3A_117 = arith.constant 0 : i32
    %add3A_118 = vector.broadcast %add3A_117 : i32 to vector<16xi32>
    %add3A_119 = arith.addi %iota3A, %add3A_118 : vector<16xi32>
    tpu.vector_store_idx %arg5[%add3A_119, %get3A_116], %broadcast_in_dim3A_5 : memref<32x1000xf32, #tpu.memory_space<vmem>>[vector<16xi32>, vector<16xi32>], vector<16xf32>,
    %get3A_120 = arith.constant 144 : index
    %get3A_121 = tpu.vector_load %arg4[%get3A_120] {strides = array<i32>} : memref<512xi32, #tpu.memory_space<vmem>>, vector<16xi32>,
    %add3A_122 = arith.constant 16 : i32
    %add3A_123 = vector.broadcast %add3A_122 : i32 to vector<16xi32>
    %add3A_124 = arith.addi %iota3A, %add3A_123 : vector<16xi32>
    tpu.vector_store_idx %arg5[%add3A_124, %get3A_121], %broadcast_in_dim3A_5 : memref<32x1000xf32, #tpu.memory_space<vmem>>[vector<16xi32>, vector<16xi32>], vector<16xf32>,
    %add3A_125 = arith.constant 128 : i32
    %add3A_126 = arith.addi %mul3A_2, %add3A_125 : i32
    %dma_start3A_127 = arith.constant 0 : i32
    %dma_start3A_128 = tpu.memref_slice %arg3[%add3A_126, %dma_start3A_127] : memref<16384x1000xf32, #tpu.memory_space<hbm>> -> memref<32x1000xf32, #tpu.memory_space<hbm>>
    %dma_start3A_129 = arith.constant 0 : i32
    %dma_start3A_130 = tpu.memref_slice %arg3[%add3A_126, %dma_start3A_129] : memref<16384x1000xf32, #tpu.memory_space<hbm>> -> memref<32x1000xf32, #tpu.memory_space<hbm>>
    tpu.enqueue_dma source(%arg5 : memref<32x1000xf32, #tpu.memory_space<vmem>>) target(%dma_start3A_130 : memref<32x1000xf32, #tpu.memory_space<hbm>>) target_semaphore(%arg7 : memref<!tpu.dma_semaphore, #tpu.memory_space<semaphore_mem>>)
    %dma_wait3A_131 = arith.constant 0 : i32
    %dma_wait3A_132 = tpu.memref_slice %arg3[%add3A_96, %dma_wait3A_131] : memref<16384x1000xf32, #tpu.memory_space<hbm>> -> memref<32x1000xf32, #tpu.memory_space<hbm>>
    %dma_wait3A_133 = arith.constant 0 : i32
    %dma_wait3A_134 = tpu.memref_slice %arg3[%add3A_96, %dma_wait3A_133] : memref<16384x1000xf32, #tpu.memory_space<hbm>> -> memref<32x1000xf32, #tpu.memory_space<hbm>>
    tpu.wait_dma2 semaphore(%arg8 : memref<!tpu.dma_semaphore, #tpu.memory_space<semaphore_mem>>) src(%arg6 : memref<32x1000xf32, #tpu.memory_space<vmem>>) dst(%dma_wait3A_134 : memref<32x1000xf32, #tpu.memory_space<hbm>>)
    %get3A_135 = arith.constant 96 : index
    %get3A_136 = tpu.vector_load %arg4[%get3A_135] {strides = array<i32>} : memref<512xi32, #tpu.memory_space<vmem>>, vector<16xi32>,
    %add3A_137 = arith.constant 0 : i32
    %add3A_138 = vector.broadcast %add3A_137 : i32 to vector<16xi32>
    %add3A_139 = arith.addi %iota3A, %add3A_138 : vector<16xi32>
    tpu.vector_store_idx %arg6[%add3A_139, %get3A_136], %broadcast_in_dim3A_3 : memref<32x1000xf32, #tpu.memory_space<vmem>>[vector<16xi32>, vector<16xi32>], vector<16xf32>,
    %get3A_140 = arith.constant 112 : index
    %get3A_141 = tpu.vector_load %arg4[%get3A_140] {strides = array<i32>} : memref<512xi32, #tpu.memory_space<vmem>>, vector<16xi32>,
    %add3A_142 = arith.constant 16 : i32
    %add3A_143 = vector.broadcast %add3A_142 : i32 to vector<16xi32>
    %add3A_144 = arith.addi %iota3A, %add3A_143 : vector<16xi32>
    tpu.vector_store_idx %arg6[%add3A_144, %get3A_141], %broadcast_in_dim3A_3 : memref<32x1000xf32, #tpu.memory_space<vmem>>[vector<16xi32>, vector<16xi32>], vector<16xf32>,
    %get3A_145 = arith.constant 160 : index
    %get3A_146 = tpu.vector_load %arg4[%get3A_145] {strides = array<i32>} : memref<512xi32, #tpu.memory_space<vmem>>, vector<16xi32>,
    %add3A_147 = arith.constant 0 : i32
    %add3A_148 = vector.broadcast %add3A_147 : i32 to vector<16xi32>
    %add3A_149 = arith.addi %iota3A, %add3A_148 : vector<16xi32>
    tpu.vector_store_idx %arg6[%add3A_149, %get3A_146], %broadcast_in_dim3A_5 : memref<32x1000xf32, #tpu.memory_space<vmem>>[vector<16xi32>, vector<16xi32>], vector<16xf32>,
    %get3A_150 = arith.constant 176 : index
    %get3A_151 = tpu.vector_load %arg4[%get3A_150] {strides = array<i32>} : memref<512xi32, #tpu.memory_space<vmem>>, vector<16xi32>,
    %add3A_152 = arith.constant 16 : i32
    %add3A_153 = vector.broadcast %add3A_152 : i32 to vector<16xi32>
    %add3A_154 = arith.addi %iota3A, %add3A_153 : vector<16xi32>
    tpu.vector_store_idx %arg6[%add3A_154, %get3A_151], %broadcast_in_dim3A_5 : memref<32x1000xf32, #tpu.memory_space<vmem>>[vector<16xi32>, vector<16xi32>], vector<16xf32>,
    %add3A_155 = arith.constant 160 : i32
    %add3A_156 = arith.addi %mul3A_2, %add3A_155 : i32
    %dma_start3A_157 = arith.constant 0 : i32
    %dma_start3A_158 = tpu.memref_slice %arg3[%add3A_156, %dma_start3A_157] : memref<16384x1000xf32, #tpu.memory_space<hbm>> -> memref<32x1000xf32, #tpu.memory_space<hbm>>
    %dma_start3A_159 = arith.constant 0 : i32
    %dma_start3A_160 = tpu.memref_slice %arg3[%add3A_156, %dma_start3A_159] : memref<16384x1000xf32, #tpu.memory_space<hbm>> -> memref<32x1000xf32, #tpu.memory_space<hbm>>
    tpu.enqueue_dma source(%arg6 : memref<32x1000xf32, #tpu.memory_space<vmem>>) target(%dma_start3A_160 : memref<32x1000xf32, #tpu.memory_space<hbm>>) target_semaphore(%arg8 : memref<!tpu.dma_semaphore, #tpu.memory_space<semaphore_mem>>)
    %dma_wait3A_161 = arith.constant 0 : i32
    %dma_wait3A_162 = tpu.memref_slice %arg3[%add3A_126, %dma_wait3A_161] : memref<16384x1000xf32, #tpu.memory_space<hbm>> -> memref<32x1000xf32, #tpu.memory_space<hbm>>
    %dma_wait3A_163 = arith.constant 0 : i32
    %dma_wait3A_164 = tpu.memref_slice %arg3[%add3A_126, %dma_wait3A_163] : memref<16384x1000xf32, #tpu.memory_space<hbm>> -> memref<32x1000xf32, #tpu.memory_space<hbm>>
    tpu.wait_dma2 semaphore(%arg7 : memref<!tpu.dma_semaphore, #tpu.memory_space<semaphore_mem>>) src(%arg5 : memref<32x1000xf32, #tpu.memory_space<vmem>>) dst(%dma_wait3A_164 : memref<32x1000xf32, #tpu.memory_space<hbm>>)
    %get3A_165 = arith.constant 128 : index
    %get3A_166 = tpu.vector_load %arg4[%get3A_165] {strides = array<i32>} : memref<512xi32, #tpu.memory_space<vmem>>, vector<16xi32>,
    %add3A_167 = arith.constant 0 : i32
    %add3A_168 = vector.broadcast %add3A_167 : i32 to vector<16xi32>
    %add3A_169 = arith.addi %iota3A, %add3A_168 : vector<16xi32>
    tpu.vector_store_idx %arg5[%add3A_169, %get3A_166], %broadcast_in_dim3A_3 : memref<32x1000xf32, #tpu.memory_space<vmem>>[vector<16xi32>, vector<16xi32>], vector<16xf32>,
    %get3A_170 = arith.constant 144 : index
    %get3A_171 = tpu.vector_load %arg4[%get3A_170] {strides = array<i32>} : memref<512xi32, #tpu.memory_space<vmem>>, vector<16xi32>,
    %add3A_172 = arith.constant 16 : i32
    %add3A_173 = vector.broadcast %add3A_172 : i32 to vector<16xi32>
    %add3A_174 = arith.addi %iota3A, %add3A_173 : vector<16xi32>
    tpu.vector_store_idx %arg5[%add3A_174, %get3A_171], %broadcast_in_dim3A_3 : memref<32x1000xf32, #tpu.memory_space<vmem>>[vector<16xi32>, vector<16xi32>], vector<16xf32>,
    %get3A_175 = arith.constant 192 : index
    %get3A_176 = tpu.vector_load %arg4[%get3A_175] {strides = array<i32>} : memref<512xi32, #tpu.memory_space<vmem>>, vector<16xi32>,
    %add3A_177 = arith.constant 0 : i32
    %add3A_178 = vector.broadcast %add3A_177 : i32 to vector<16xi32>
    %add3A_179 = arith.addi %iota3A, %add3A_178 : vector<16xi32>
    tpu.vector_store_idx %arg5[%add3A_179, %get3A_176], %broadcast_in_dim3A_5 : memref<32x1000xf32, #tpu.memory_space<vmem>>[vector<16xi32>, vector<16xi32>], vector<16xf32>,
    %get3A_180 = arith.constant 208 : index
    %get3A_181 = tpu.vector_load %arg4[%get3A_180] {strides = array<i32>} : memref<512xi32, #tpu.memory_space<vmem>>, vector<16xi32>,
    %add3A_182 = arith.constant 16 : i32
    %add3A_183 = vector.broadcast %add3A_182 : i32 to vector<16xi32>
    %add3A_184 = arith.addi %iota3A, %add3A_183 : vector<16xi32>
    tpu.vector_store_idx %arg5[%add3A_184, %get3A_181], %broadcast_in_dim3A_5 : memref<32x1000xf32, #tpu.memory_space<vmem>>[vector<16xi32>, vector<16xi32>], vector<16xf32>,
    %add3A_185 = arith.constant 192 : i32
    %add3A_186 = arith.addi %mul3A_2, %add3A_185 : i32
    %dma_start3A_187 = arith.constant 0 : i32
    %dma_start3A_188 = tpu.memref_slice %arg3[%add3A_186, %dma_start3A_187] : memref<16384x1000xf32, #tpu.memory_space<hbm>> -> memref<32x1000xf32, #tpu.memory_space<hbm>>
    %dma_start3A_189 = arith.constant 0 : i32
    %dma_start3A_190 = tpu.memref_slice %arg3[%add3A_186, %dma_start3A_189] : memref<16384x1000xf32, #tpu.memory_space<hbm>> -> memref<32x1000xf32, #tpu.memory_space<hbm>>
    tpu.enqueue_dma source(%arg5 : memref<32x1000xf32, #tpu.memory_space<vmem>>) target(%dma_start3A_190 : memref<32x1000xf32, #tpu.memory_space<hbm>>) target_semaphore(%arg7 : memref<!tpu.dma_semaphore, #tpu.memory_space<semaphore_mem>>)
    %dma_wait3A_191 = arith.constant 0 : i32
    %dma_wait3A_192 = tpu.memref_slice %arg3[%add3A_156, %dma_wait3A_191] : memref<16384x1000xf32, #tpu.memory_space<hbm>> -> memref<32x1000xf32, #tpu.memory_space<hbm>>
    %dma_wait3A_193 = arith.constant 0 : i32
    %dma_wait3A_194 = tpu.memref_slice %arg3[%add3A_156, %dma_wait3A_193] : memref<16384x1000xf32, #tpu.memory_space<hbm>> -> memref<32x1000xf32, #tpu.memory_space<hbm>>
    tpu.wait_dma2 semaphore(%arg8 : memref<!tpu.dma_semaphore, #tpu.memory_space<semaphore_mem>>) src(%arg6 : memref<32x1000xf32, #tpu.memory_space<vmem>>) dst(%dma_wait3A_194 : memref<32x1000xf32, #tpu.memory_space<hbm>>)
    %get3A_195 = arith.constant 160 : index
    %get3A_196 = tpu.vector_load %arg4[%get3A_195] {strides = array<i32>} : memref<512xi32, #tpu.memory_space<vmem>>, vector<16xi32>,
    %add3A_197 = arith.constant 0 : i32
    %add3A_198 = vector.broadcast %add3A_197 : i32 to vector<16xi32>
    %add3A_199 = arith.addi %iota3A, %add3A_198 : vector<16xi32>
    tpu.vector_store_idx %arg6[%add3A_199, %get3A_196], %broadcast_in_dim3A_3 : memref<32x1000xf32, #tpu.memory_space<vmem>>[vector<16xi32>, vector<16xi32>], vector<16xf32>,
    %get3A_200 = arith.constant 176 : index
    %get3A_201 = tpu.vector_load %arg4[%get3A_200] {strides = array<i32>} : memref<512xi32, #tpu.memory_space<vmem>>, vector<16xi32>,
    %add3A_202 = arith.constant 16 : i32
    %add3A_203 = vector.broadcast %add3A_202 : i32 to vector<16xi32>
    %add3A_204 = arith.addi %iota3A, %add3A_203 : vector<16xi32>
    tpu.vector_store_idx %arg6[%add3A_204, %get3A_201], %broadcast_in_dim3A_3 : memref<32x1000xf32, #tpu.memory_space<vmem>>[vector<16xi32>, vector<16xi32>], vector<16xf32>,
    %get3A_205 = arith.constant 224 : index
    %get3A_206 = tpu.vector_load %arg4[%get3A_205] {strides = array<i32>} : memref<512xi32, #tpu.memory_space<vmem>>, vector<16xi32>,
    %add3A_207 = arith.constant 0 : i32
    %add3A_208 = vector.broadcast %add3A_207 : i32 to vector<16xi32>
    %add3A_209 = arith.addi %iota3A, %add3A_208 : vector<16xi32>
    tpu.vector_store_idx %arg6[%add3A_209, %get3A_206], %broadcast_in_dim3A_5 : memref<32x1000xf32, #tpu.memory_space<vmem>>[vector<16xi32>, vector<16xi32>], vector<16xf32>,
    %get3A_210 = arith.constant 240 : index
    %get3A_211 = tpu.vector_load %arg4[%get3A_210] {strides = array<i32>} : memref<512xi32, #tpu.memory_space<vmem>>, vector<16xi32>,
    %add3A_212 = arith.constant 16 : i32
    %add3A_213 = vector.broadcast %add3A_212 : i32 to vector<16xi32>
    %add3A_214 = arith.addi %iota3A, %add3A_213 : vector<16xi32>
    tpu.vector_store_idx %arg6[%add3A_214, %get3A_211], %broadcast_in_dim3A_5 : memref<32x1000xf32, #tpu.memory_space<vmem>>[vector<16xi32>, vector<16xi32>], vector<16xf32>,
    %add3A_215 = arith.constant 224 : i32
    %add3A_216 = arith.addi %mul3A_2, %add3A_215 : i32
    %dma_start3A_217 = arith.constant 0 : i32
    %dma_start3A_218 = tpu.memref_slice %arg3[%add3A_216, %dma_start3A_217] : memref<16384x1000xf32, #tpu.memory_space<hbm>> -> memref<32x1000xf32, #tpu.memory_space<hbm>>
    %dma_start3A_219 = arith.constant 0 : i32
    %dma_start3A_220 = tpu.memref_slice %arg3[%add3A_216, %dma_start3A_219] : memref<16384x1000xf32, #tpu.memory_space<hbm>> -> memref<32x1000xf32, #tpu.memory_space<hbm>>
    tpu.enqueue_dma source(%arg6 : memref<32x1000xf32, #tpu.memory_space<vmem>>) target(%dma_start3A_220 : memref<32x1000xf32, #tpu.memory_space<hbm>>) target_semaphore(%arg8 : memref<!tpu.dma_semaphore, #tpu.memory_space<semaphore_mem>>)
    %dma_wait3A_221 = arith.constant 0 : i32
    %dma_wait3A_222 = tpu.memref_slice %arg3[%add3A_186, %dma_wait3A_221] : memref<16384x1000xf32, #tpu.memory_space<hbm>> -> memref<32x1000xf32, #tpu.memory_space<hbm>>
    %dma_wait3A_223 = arith.constant 0 : i32
    %dma_wait3A_224 = tpu.memref_slice %arg3[%add3A_186, %dma_wait3A_223] : memref<16384x1000xf32, #tpu.memory_space<hbm>> -> memref<32x1000xf32, #tpu.memory_space<hbm>>
    tpu.wait_dma2 semaphore(%arg7 : memref<!tpu.dma_semaphore, #tpu.memory_space<semaphore_mem>>) src(%arg5 : memref<32x1000xf32, #tpu.memory_space<vmem>>) dst(%dma_wait3A_224 : memref<32x1000xf32, #tpu.memory_space<hbm>>)
    %get3A_225 = arith.constant 192 : index
    %get3A_226 = tpu.vector_load %arg4[%get3A_225] {strides = array<i32>} : memref<512xi32, #tpu.memory_space<vmem>>, vector<16xi32>,
    %add3A_227 = arith.constant 0 : i32
    %add3A_228 = vector.broadcast %add3A_227 : i32 to vector<16xi32>
    %add3A_229 = arith.addi %iota3A, %add3A_228 : vector<16xi32>
    tpu.vector_store_idx %arg5[%add3A_229, %get3A_226], %broadcast_in_dim3A_3 : memref<32x1000xf32, #tpu.memory_space<vmem>>[vector<16xi32>, vector<16xi32>], vector<16xf32>,
    %get3A_230 = arith.constant 208 : index
    %get3A_231 = tpu.vector_load %arg4[%get3A_230] {strides = array<i32>} : memref<512xi32, #tpu.memory_space<vmem>>, vector<16xi32>,
    %add3A_232 = arith.constant 16 : i32
    %add3A_233 = vector.broadcast %add3A_232 : i32 to vector<16xi32>
    %add3A_234 = arith.addi %iota3A, %add3A_233 : vector<16xi32>
    tpu.vector_store_idx %arg5[%add3A_234, %get3A_231], %broadcast_in_dim3A_3 : memref<32x1000xf32, #tpu.memory_space<vmem>>[vector<16xi32>, vector<16xi32>], vector<16xf32>,
    %get3A_235 = arith.constant 256 : index
    %get3A_236 = tpu.vector_load %arg4[%get3A_235] {strides = array<i32>} : memref<512xi32, #tpu.memory_space<vmem>>, vector<16xi32>,
    %add3A_237 = arith.constant 0 : i32
    %add3A_238 = vector.broadcast %add3A_237 : i32 to vector<16xi32>
    %add3A_239 = arith.addi %iota3A, %add3A_238 : vector<16xi32>
    tpu.vector_store_idx %arg5[%add3A_239, %get3A_236], %broadcast_in_dim3A_5 : memref<32x1000xf32, #tpu.memory_space<vmem>>[vector<16xi32>, vector<16xi32>], vector<16xf32>,
    %get3A_240 = arith.constant 272 : index
    %get3A_241 = tpu.vector_load %arg4[%get3A_240] {strides = array<i32>} : memref<512xi32, #tpu.memory_space<vmem>>, vector<16xi32>,
    %add3A_242 = arith.constant 16 : i32
    %add3A_243 = vector.broadcast %add3A_242 : i32 to vector<16xi32>
    %add3A_244 = arith.addi %iota3A, %add3A_243 : vector<16xi32>
    tpu.vector_store_idx %arg5[%add3A_244, %get3A_241], %broadcast_in_dim3A_5 : memref<32x1000xf32, #tpu.memory_space<vmem>>[vector<16xi32>, vector<16xi32>], vector<16xf32>,
    %add3A_245 = arith.constant 256 : i32
    %add3A_246 = arith.addi %mul3A_2, %add3A_245 : i32
    %dma_start3A_247 = arith.constant 0 : i32
    %dma_start3A_248 = tpu.memref_slice %arg3[%add3A_246, %dma_start3A_247] : memref<16384x1000xf32, #tpu.memory_space<hbm>> -> memref<32x1000xf32, #tpu.memory_space<hbm>>
    %dma_start3A_249 = arith.constant 0 : i32
    %dma_start3A_250 = tpu.memref_slice %arg3[%add3A_246, %dma_start3A_249] : memref<16384x1000xf32, #tpu.memory_space<hbm>> -> memref<32x1000xf32, #tpu.memory_space<hbm>>
    tpu.enqueue_dma source(%arg5 : memref<32x1000xf32, #tpu.memory_space<vmem>>) target(%dma_start3A_250 : memref<32x1000xf32, #tpu.memory_space<hbm>>) target_semaphore(%arg7 : memref<!tpu.dma_semaphore, #tpu.memory_space<semaphore_mem>>)
    %dma_wait3A_251 = arith.constant 0 : i32
    %dma_wait3A_252 = tpu.memref_slice %arg3[%add3A_216, %dma_wait3A_251] : memref<16384x1000xf32, #tpu.memory_space<hbm>> -> memref<32x1000xf32, #tpu.memory_space<hbm>>
    %dma_wait3A_253 = arith.constant 0 : i32
    %dma_wait3A_254 = tpu.memref_slice %arg3[%add3A_216, %dma_wait3A_253] : memref<16384x1000xf32, #tpu.memory_space<hbm>> -> memref<32x1000xf32, #tpu.memory_space<hbm>>
    tpu.wait_dma2 semaphore(%arg8 : memref<!tpu.dma_semaphore, #tpu.memory_space<semaphore_mem>>) src(%arg6 : memref<32x1000xf32, #tpu.memory_space<vmem>>) dst(%dma_wait3A_254 : memref<32x1000xf32, #tpu.memory_space<hbm>>)
    %get3A_255 = arith.constant 224 : index
    %get3A_256 = tpu.vector_load %arg4[%get3A_255] {strides = array<i32>} : memref<512xi32, #tpu.memory_space<vmem>>, vector<16xi32>,
    %add3A_257 = arith.constant 0 : i32
    %add3A_258 = vector.broadcast %add3A_257 : i32 to vector<16xi32>
    %add3A_259 = arith.addi %iota3A, %add3A_258 : vector<16xi32>
    tpu.vector_store_idx %arg6[%add3A_259, %get3A_256], %broadcast_in_dim3A_3 : memref<32x1000xf32, #tpu.memory_space<vmem>>[vector<16xi32>, vector<16xi32>], vector<16xf32>,
    %get3A_260 = arith.constant 240 : index
    %get3A_261 = tpu.vector_load %arg4[%get3A_260] {strides = array<i32>} : memref<512xi32, #tpu.memory_space<vmem>>, vector<16xi32>,
    %add3A_262 = arith.constant 16 : i32
    %add3A_263 = vector.broadcast %add3A_262 : i32 to vector<16xi32>
    %add3A_264 = arith.addi %iota3A, %add3A_263 : vector<16xi32>
    tpu.vector_store_idx %arg6[%add3A_264, %get3A_261], %broadcast_in_dim3A_3 : memref<32x1000xf32, #tpu.memory_space<vmem>>[vector<16xi32>, vector<16xi32>], vector<16xf32>,
    %get3A_265 = arith.constant 288 : index
    %get3A_266 = tpu.vector_load %arg4[%get3A_265] {strides = array<i32>} : memref<512xi32, #tpu.memory_space<vmem>>, vector<16xi32>,
    %add3A_267 = arith.constant 0 : i32
    %add3A_268 = vector.broadcast %add3A_267 : i32 to vector<16xi32>
    %add3A_269 = arith.addi %iota3A, %add3A_268 : vector<16xi32>
    tpu.vector_store_idx %arg6[%add3A_269, %get3A_266], %broadcast_in_dim3A_5 : memref<32x1000xf32, #tpu.memory_space<vmem>>[vector<16xi32>, vector<16xi32>], vector<16xf32>,
    %get3A_270 = arith.constant 304 : index
    %get3A_271 = tpu.vector_load %arg4[%get3A_270] {strides = array<i32>} : memref<512xi32, #tpu.memory_space<vmem>>, vector<16xi32>,
    %add3A_272 = arith.constant 16 : i32
    %add3A_273 = vector.broadcast %add3A_272 : i32 to vector<16xi32>
    %add3A_274 = arith.addi %iota3A, %add3A_273 : vector<16xi32>
    tpu.vector_store_idx %arg6[%add3A_274, %get3A_271], %broadcast_in_dim3A_5 : memref<32x1000xf32, #tpu.memory_space<vmem>>[vector<16xi32>, vector<16xi32>], vector<16xf32>,
    %add3A_275 = arith.constant 288 : i32
    %add3A_276 = arith.addi %mul3A_2, %add3A_275 : i32
    %dma_start3A_277 = arith.constant 0 : i32
    %dma_start3A_278 = tpu.memref_slice %arg3[%add3A_276, %dma_start3A_277] : memref<16384x1000xf32, #tpu.memory_space<hbm>> -> memref<32x1000xf32, #tpu.memory_space<hbm>>
    %dma_start3A_279 = arith.constant 0 : i32
    %dma_start3A_280 = tpu.memref_slice %arg3[%add3A_276, %dma_start3A_279] : memref<16384x1000xf32, #tpu.memory_space<hbm>> -> memref<32x1000xf32, #tpu.memory_space<hbm>>
    tpu.enqueue_dma source(%arg6 : memref<32x1000xf32, #tpu.memory_space<vmem>>) target(%dma_start3A_280 : memref<32x1000xf32, #tpu.memory_space<hbm>>) target_semaphore(%arg8 : memref<!tpu.dma_semaphore, #tpu.memory_space<semaphore_mem>>)
    %dma_wait3A_281 = arith.constant 0 : i32
    %dma_wait3A_282 = tpu.memref_slice %arg3[%add3A_246, %dma_wait3A_281] : memref<16384x1000xf32, #tpu.memory_space<hbm>> -> memref<32x1000xf32, #tpu.memory_space<hbm>>
    %dma_wait3A_283 = arith.constant 0 : i32
    %dma_wait3A_284 = tpu.memref_slice %arg3[%add3A_246, %dma_wait3A_283] : memref<16384x1000xf32, #tpu.memory_space<hbm>> -> memref<32x1000xf32, #tpu.memory_space<hbm>>
    tpu.wait_dma2 semaphore(%arg7 : memref<!tpu.dma_semaphore, #tpu.memory_space<semaphore_mem>>) src(%arg5 : memref<32x1000xf32, #tpu.memory_space<vmem>>) dst(%dma_wait3A_284 : memref<32x1000xf32, #tpu.memory_space<hbm>>)
    %get3A_285 = arith.constant 256 : index
    %get3A_286 = tpu.vector_load %arg4[%get3A_285] {strides = array<i32>} : memref<512xi32, #tpu.memory_space<vmem>>, vector<16xi32>,
    %add3A_287 = arith.constant 0 : i32
    %add3A_288 = vector.broadcast %add3A_287 : i32 to vector<16xi32>
    %add3A_289 = arith.addi %iota3A, %add3A_288 : vector<16xi32>
    tpu.vector_store_idx %arg5[%add3A_289, %get3A_286], %broadcast_in_dim3A_3 : memref<32x1000xf32, #tpu.memory_space<vmem>>[vector<16xi32>, vector<16xi32>], vector<16xf32>,
    %get3A_290 = arith.constant 272 : index
    %get3A_291 = tpu.vector_load %arg4[%get3A_290] {strides = array<i32>} : memref<512xi32, #tpu.memory_space<vmem>>, vector<16xi32>,
    %add3A_292 = arith.constant 16 : i32
    %add3A_293 = vector.broadcast %add3A_292 : i32 to vector<16xi32>
    %add3A_294 = arith.addi %iota3A, %add3A_293 : vector<16xi32>
    tpu.vector_store_idx %arg5[%add3A_294, %get3A_291], %broadcast_in_dim3A_3 : memref<32x1000xf32, #tpu.memory_space<vmem>>[vector<16xi32>, vector<16xi32>], vector<16xf32>,
    %get3A_295 = arith.constant 320 : index
    %get3A_296 = tpu.vector_load %arg4[%get3A_295] {strides = array<i32>} : memref<512xi32, #tpu.memory_space<vmem>>, vector<16xi32>,
    %add3A_297 = arith.constant 0 : i32
    %add3A_298 = vector.broadcast %add3A_297 : i32 to vector<16xi32>
    %add3A_299 = arith.addi %iota3A, %add3A_298 : vector<16xi32>
    tpu.vector_store_idx %arg5[%add3A_299, %get3A_296], %broadcast_in_dim3A_5 : memref<32x1000xf32, #tpu.memory_space<vmem>>[vector<16xi32>, vector<16xi32>], vector<16xf32>,
    %get3A_300 = arith.constant 336 : index
    %get3A_301 = tpu.vector_load %arg4[%get3A_300] {strides = array<i32>} : memref<512xi32, #tpu.memory_space<vmem>>, vector<16xi32>,
    %add3A_302 = arith.constant 16 : i32
    %add3A_303 = vector.broadcast %add3A_302 : i32 to vector<16xi32>
    %add3A_304 = arith.addi %iota3A, %add3A_303 : vector<16xi32>
    tpu.vector_store_idx %arg5[%add3A_304, %get3A_301], %broadcast_in_dim3A_5 : memref<32x1000xf32, #tpu.memory_space<vmem>>[vector<16xi32>, vector<16xi32>], vector<16xf32>,
    %add3A_305 = arith.constant 320 : i32
    %add3A_306 = arith.addi %mul3A_2, %add3A_305 : i32
    %dma_start3A_307 = arith.constant 0 : i32
    %dma_start3A_308 = tpu.memref_slice %arg3[%add3A_306, %dma_start3A_307] : memref<16384x1000xf32, #tpu.memory_space<hbm>> -> memref<32x1000xf32, #tpu.memory_space<hbm>>
    %dma_start3A_309 = arith.constant 0 : i32
    %dma_start3A_310 = tpu.memref_slice %arg3[%add3A_306, %dma_start3A_309] : memref<16384x1000xf32, #tpu.memory_space<hbm>> -> memref<32x1000xf32, #tpu.memory_space<hbm>>
    tpu.enqueue_dma source(%arg5 : memref<32x1000xf32, #tpu.memory_space<vmem>>) target(%dma_start3A_310 : memref<32x1000xf32, #tpu.memory_space<hbm>>) target_semaphore(%arg7 : memref<!tpu.dma_semaphore, #tpu.memory_space<semaphore_mem>>)
    %dma_wait3A_311 = arith.constant 0 : i32
    %dma_wait3A_312 = tpu.memref_slice %arg3[%add3A_276, %dma_wait3A_311] : memref<16384x1000xf32, #tpu.memory_space<hbm>> -> memref<32x1000xf32, #tpu.memory_space<hbm>>
    %dma_wait3A_313 = arith.constant 0 : i32
    %dma_wait3A_314 = tpu.memref_slice %arg3[%add3A_276, %dma_wait3A_313] : memref<16384x1000xf32, #tpu.memory_space<hbm>> -> memref<32x1000xf32, #tpu.memory_space<hbm>>
    tpu.wait_dma2 semaphore(%arg8 : memref<!tpu.dma_semaphore, #tpu.memory_space<semaphore_mem>>) src(%arg6 : memref<32x1000xf32, #tpu.memory_space<vmem>>) dst(%dma_wait3A_314 : memref<32x1000xf32, #tpu.memory_space<hbm>>)
    %get3A_315 = arith.constant 288 : index
    %get3A_316 = tpu.vector_load %arg4[%get3A_315] {strides = array<i32>} : memref<512xi32, #tpu.memory_space<vmem>>, vector<16xi32>,
    %add3A_317 = arith.constant 0 : i32
    %add3A_318 = vector.broadcast %add3A_317 : i32 to vector<16xi32>
    %add3A_319 = arith.addi %iota3A, %add3A_318 : vector<16xi32>
    tpu.vector_store_idx %arg6[%add3A_319, %get3A_316], %broadcast_in_dim3A_3 : memref<32x1000xf32, #tpu.memory_space<vmem>>[vector<16xi32>, vector<16xi32>], vector<16xf32>,
    %get3A_320 = arith.constant 304 : index
    %get3A_321 = tpu.vector_load %arg4[%get3A_320] {strides = array<i32>} : memref<512xi32, #tpu.memory_space<vmem>>, vector<16xi32>,
    %add3A_322 = arith.constant 16 : i32
    %add3A_323 = vector.broadcast %add3A_322 : i32 to vector<16xi32>
    %add3A_324 = arith.addi %iota3A, %add3A_323 : vector<16xi32>
    tpu.vector_store_idx %arg6[%add3A_324, %get3A_321], %broadcast_in_dim3A_3 : memref<32x1000xf32, #tpu.memory_space<vmem>>[vector<16xi32>, vector<16xi32>], vector<16xf32>,
    %get3A_325 = arith.constant 352 : index
    %get3A_326 = tpu.vector_load %arg4[%get3A_325] {strides = array<i32>} : memref<512xi32, #tpu.memory_space<vmem>>, vector<16xi32>,
    %add3A_327 = arith.constant 0 : i32
    %add3A_328 = vector.broadcast %add3A_327 : i32 to vector<16xi32>
    %add3A_329 = arith.addi %iota3A, %add3A_328 : vector<16xi32>
    tpu.vector_store_idx %arg6[%add3A_329, %get3A_326], %broadcast_in_dim3A_5 : memref<32x1000xf32, #tpu.memory_space<vmem>>[vector<16xi32>, vector<16xi32>], vector<16xf32>,
    %get3A_330 = arith.constant 368 : index
    %get3A_331 = tpu.vector_load %arg4[%get3A_330] {strides = array<i32>} : memref<512xi32, #tpu.memory_space<vmem>>, vector<16xi32>,
    %add3A_332 = arith.constant 16 : i32
    %add3A_333 = vector.broadcast %add3A_332 : i32 to vector<16xi32>
    %add3A_334 = arith.addi %iota3A, %add3A_333 : vector<16xi32>
    tpu.vector_store_idx %arg6[%add3A_334, %get3A_331], %broadcast_in_dim3A_5 : memref<32x1000xf32, #tpu.memory_space<vmem>>[vector<16xi32>, vector<16xi32>], vector<16xf32>,
    %add3A_335 = arith.constant 352 : i32
    %add3A_336 = arith.addi %mul3A_2, %add3A_335 : i32
    %dma_start3A_337 = arith.constant 0 : i32
    %dma_start3A_338 = tpu.memref_slice %arg3[%add3A_336, %dma_start3A_337] : memref<16384x1000xf32, #tpu.memory_space<hbm>> -> memref<32x1000xf32, #tpu.memory_space<hbm>>
    %dma_start3A_339 = arith.constant 0 : i32
    %dma_start3A_340 = tpu.memref_slice %arg3[%add3A_336, %dma_start3A_339] : memref<16384x1000xf32, #tpu.memory_space<hbm>> -> memref<32x1000xf32, #tpu.memory_space<hbm>>
    tpu.enqueue_dma source(%arg6 : memref<32x1000xf32, #tpu.memory_space<vmem>>) target(%dma_start3A_340 : memref<32x1000xf32, #tpu.memory_space<hbm>>) target_semaphore(%arg8 : memref<!tpu.dma_semaphore, #tpu.memory_space<semaphore_mem>>)
    %dma_wait3A_341 = arith.constant 0 : i32
    %dma_wait3A_342 = tpu.memref_slice %arg3[%add3A_306, %dma_wait3A_341] : memref<16384x1000xf32, #tpu.memory_space<hbm>> -> memref<32x1000xf32, #tpu.memory_space<hbm>>
    %dma_wait3A_343 = arith.constant 0 : i32
    %dma_wait3A_344 = tpu.memref_slice %arg3[%add3A_306, %dma_wait3A_343] : memref<16384x1000xf32, #tpu.memory_space<hbm>> -> memref<32x1000xf32, #tpu.memory_space<hbm>>
    tpu.wait_dma2 semaphore(%arg7 : memref<!tpu.dma_semaphore, #tpu.memory_space<semaphore_mem>>) src(%arg5 : memref<32x1000xf32, #tpu.memory_space<vmem>>) dst(%dma_wait3A_344 : memref<32x1000xf32, #tpu.memory_space<hbm>>)
    %get3A_345 = arith.constant 320 : index
    %get3A_346 = tpu.vector_load %arg4[%get3A_345] {strides = array<i32>} : memref<512xi32, #tpu.memory_space<vmem>>, vector<16xi32>,
    %add3A_347 = arith.constant 0 : i32
    %add3A_348 = vector.broadcast %add3A_347 : i32 to vector<16xi32>
    %add3A_349 = arith.addi %iota3A, %add3A_348 : vector<16xi32>
    tpu.vector_store_idx %arg5[%add3A_349, %get3A_346], %broadcast_in_dim3A_3 : memref<32x1000xf32, #tpu.memory_space<vmem>>[vector<16xi32>, vector<16xi32>], vector<16xf32>,
    %get3A_350 = arith.constant 336 : index
    %get3A_351 = tpu.vector_load %arg4[%get3A_350] {strides = array<i32>} : memref<512xi32, #tpu.memory_space<vmem>>, vector<16xi32>,
    %add3A_352 = arith.constant 16 : i32
    %add3A_353 = vector.broadcast %add3A_352 : i32 to vector<16xi32>
    %add3A_354 = arith.addi %iota3A, %add3A_353 : vector<16xi32>
    tpu.vector_store_idx %arg5[%add3A_354, %get3A_351], %broadcast_in_dim3A_3 : memref<32x1000xf32, #tpu.memory_space<vmem>>[vector<16xi32>, vector<16xi32>], vector<16xf32>,
    %get3A_355 = arith.constant 384 : index
    %get3A_356 = tpu.vector_load %arg4[%get3A_355] {strides = array<i32>} : memref<512xi32, #tpu.memory_space<vmem>>, vector<16xi32>,
    %add3A_357 = arith.constant 0 : i32
    %add3A_358 = vector.broadcast %add3A_357 : i32 to vector<16xi32>
    %add3A_359 = arith.addi %iota3A, %add3A_358 : vector<16xi32>
    tpu.vector_store_idx %arg5[%add3A_359, %get3A_356], %broadcast_in_dim3A_5 : memref<32x1000xf32, #tpu.memory_space<vmem>>[vector<16xi32>, vector<16xi32>], vector<16xf32>,
    %get3A_360 = arith.constant 400 : index
    %get3A_361 = tpu.vector_load %arg4[%get3A_360] {strides = array<i32>} : memref<512xi32, #tpu.memory_space<vmem>>, vector<16xi32>,
    %add3A_362 = arith.constant 16 : i32
    %add3A_363 = vector.broadcast %add3A_362 : i32 to vector<16xi32>
    %add3A_364 = arith.addi %iota3A, %add3A_363 : vector<16xi32>
    tpu.vector_store_idx %arg5[%add3A_364, %get3A_361], %broadcast_in_dim3A_5 : memref<32x1000xf32, #tpu.memory_space<vmem>>[vector<16xi32>, vector<16xi32>], vector<16xf32>,
    %add3A_365 = arith.constant 384 : i32
    %add3A_366 = arith.addi %mul3A_2, %add3A_365 : i32
    %dma_start3A_367 = arith.constant 0 : i32
    %dma_start3A_368 = tpu.memref_slice %arg3[%add3A_366, %dma_start3A_367] : memref<16384x1000xf32, #tpu.memory_space<hbm>> -> memref<32x1000xf32, #tpu.memory_space<hbm>>
    %dma_start3A_369 = arith.constant 0 : i32
    %dma_start3A_370 = tpu.memref_slice %arg3[%add3A_366, %dma_start3A_369] : memref<16384x1000xf32, #tpu.memory_space<hbm>> -> memref<32x1000xf32, #tpu.memory_space<hbm>>
    tpu.enqueue_dma source(%arg5 : memref<32x1000xf32, #tpu.memory_space<vmem>>) target(%dma_start3A_370 : memref<32x1000xf32, #tpu.memory_space<hbm>>) target_semaphore(%arg7 : memref<!tpu.dma_semaphore, #tpu.memory_space<semaphore_mem>>)
    %dma_wait3A_371 = arith.constant 0 : i32
    %dma_wait3A_372 = tpu.memref_slice %arg3[%add3A_336, %dma_wait3A_371] : memref<16384x1000xf32, #tpu.memory_space<hbm>> -> memref<32x1000xf32, #tpu.memory_space<hbm>>
    %dma_wait3A_373 = arith.constant 0 : i32
    %dma_wait3A_374 = tpu.memref_slice %arg3[%add3A_336, %dma_wait3A_373] : memref<16384x1000xf32, #tpu.memory_space<hbm>> -> memref<32x1000xf32, #tpu.memory_space<hbm>>
    tpu.wait_dma2 semaphore(%arg8 : memref<!tpu.dma_semaphore, #tpu.memory_space<semaphore_mem>>) src(%arg6 : memref<32x1000xf32, #tpu.memory_space<vmem>>) dst(%dma_wait3A_374 : memref<32x1000xf32, #tpu.memory_space<hbm>>)
    %get3A_375 = arith.constant 352 : index
    %get3A_376 = tpu.vector_load %arg4[%get3A_375] {strides = array<i32>} : memref<512xi32, #tpu.memory_space<vmem>>, vector<16xi32>,
    %add3A_377 = arith.constant 0 : i32
    %add3A_378 = vector.broadcast %add3A_377 : i32 to vector<16xi32>
    %add3A_379 = arith.addi %iota3A, %add3A_378 : vector<16xi32>
    tpu.vector_store_idx %arg6[%add3A_379, %get3A_376], %broadcast_in_dim3A_3 : memref<32x1000xf32, #tpu.memory_space<vmem>>[vector<16xi32>, vector<16xi32>], vector<16xf32>,
    %get3A_380 = arith.constant 368 : index
    %get3A_381 = tpu.vector_load %arg4[%get3A_380] {strides = array<i32>} : memref<512xi32, #tpu.memory_space<vmem>>, vector<16xi32>,
    %add3A_382 = arith.constant 16 : i32
    %add3A_383 = vector.broadcast %add3A_382 : i32 to vector<16xi32>
    %add3A_384 = arith.addi %iota3A, %add3A_383 : vector<16xi32>
    tpu.vector_store_idx %arg6[%add3A_384, %get3A_381], %broadcast_in_dim3A_3 : memref<32x1000xf32, #tpu.memory_space<vmem>>[vector<16xi32>, vector<16xi32>], vector<16xf32>,
    %get3A_385 = arith.constant 416 : index
    %get3A_386 = tpu.vector_load %arg4[%get3A_385] {strides = array<i32>} : memref<512xi32, #tpu.memory_space<vmem>>, vector<16xi32>,
    %add3A_387 = arith.constant 0 : i32
    %add3A_388 = vector.broadcast %add3A_387 : i32 to vector<16xi32>
    %add3A_389 = arith.addi %iota3A, %add3A_388 : vector<16xi32>
    tpu.vector_store_idx %arg6[%add3A_389, %get3A_386], %broadcast_in_dim3A_5 : memref<32x1000xf32, #tpu.memory_space<vmem>>[vector<16xi32>, vector<16xi32>], vector<16xf32>,
    %get3A_390 = arith.constant 432 : index
    %get3A_391 = tpu.vector_load %arg4[%get3A_390] {strides = array<i32>} : memref<512xi32, #tpu.memory_space<vmem>>, vector<16xi32>,
    %add3A_392 = arith.constant 16 : i32
    %add3A_393 = vector.broadcast %add3A_392 : i32 to vector<16xi32>
    %add3A_394 = arith.addi %iota3A, %add3A_393 : vector<16xi32>
    tpu.vector_store_idx %arg6[%add3A_394, %get3A_391], %broadcast_in_dim3A_5 : memref<32x1000xf32, #tpu.memory_space<vmem>>[vector<16xi32>, vector<16xi32>], vector<16xf32>,
    %add3A_395 = arith.constant 416 : i32
    %add3A_396 = arith.addi %mul3A_2, %add3A_395 : i32
    %dma_start3A_397 = arith.constant 0 : i32
    %dma_start3A_398 = tpu.memref_slice %arg3[%add3A_396, %dma_start3A_397] : memref<16384x1000xf32, #tpu.memory_space<hbm>> -> memref<32x1000xf32, #tpu.memory_space<hbm>>
    %dma_start3A_399 = arith.constant 0 : i32
    %dma_start3A_400 = tpu.memref_slice %arg3[%add3A_396, %dma_start3A_399] : memref<16384x1000xf32, #tpu.memory_space<hbm>> -> memref<32x1000xf32, #tpu.memory_space<hbm>>
    tpu.enqueue_dma source(%arg6 : memref<32x1000xf32, #tpu.memory_space<vmem>>) target(%dma_start3A_400 : memref<32x1000xf32, #tpu.memory_space<hbm>>) target_semaphore(%arg8 : memref<!tpu.dma_semaphore, #tpu.memory_space<semaphore_mem>>)
    %dma_wait3A_401 = arith.constant 0 : i32
    %dma_wait3A_402 = tpu.memref_slice %arg3[%add3A_366, %dma_wait3A_401] : memref<16384x1000xf32, #tpu.memory_space<hbm>> -> memref<32x1000xf32, #tpu.memory_space<hbm>>
    %dma_wait3A_403 = arith.constant 0 : i32
    %dma_wait3A_404 = tpu.memref_slice %arg3[%add3A_366, %dma_wait3A_403] : memref<16384x1000xf32, #tpu.memory_space<hbm>> -> memref<32x1000xf32, #tpu.memory_space<hbm>>
    tpu.wait_dma2 semaphore(%arg7 : memref<!tpu.dma_semaphore, #tpu.memory_space<semaphore_mem>>) src(%arg5 : memref<32x1000xf32, #tpu.memory_space<vmem>>) dst(%dma_wait3A_404 : memref<32x1000xf32, #tpu.memory_space<hbm>>)
    %get3A_405 = arith.constant 384 : index
    %get3A_406 = tpu.vector_load %arg4[%get3A_405] {strides = array<i32>} : memref<512xi32, #tpu.memory_space<vmem>>, vector<16xi32>,
    %add3A_407 = arith.constant 0 : i32
    %add3A_408 = vector.broadcast %add3A_407 : i32 to vector<16xi32>
    %add3A_409 = arith.addi %iota3A, %add3A_408 : vector<16xi32>
    tpu.vector_store_idx %arg5[%add3A_409, %get3A_406], %broadcast_in_dim3A_3 : memref<32x1000xf32, #tpu.memory_space<vmem>>[vector<16xi32>, vector<16xi32>], vector<16xf32>,
    %get3A_410 = arith.constant 400 : index
    %get3A_411 = tpu.vector_load %arg4[%get3A_410] {strides = array<i32>} : memref<512xi32, #tpu.memory_space<vmem>>, vector<16xi32>,
    %add3A_412 = arith.constant 16 : i32
    %add3A_413 = vector.broadcast %add3A_412 : i32 to vector<16xi32>
    %add3A_414 = arith.addi %iota3A, %add3A_413 : vector<16xi32>
    tpu.vector_store_idx %arg5[%add3A_414, %get3A_411], %broadcast_in_dim3A_3 : memref<32x1000xf32, #tpu.memory_space<vmem>>[vector<16xi32>, vector<16xi32>], vector<16xf32>,
    %get3A_415 = arith.constant 448 : index
    %get3A_416 = tpu.vector_load %arg4[%get3A_415] {strides = array<i32>} : memref<512xi32, #tpu.memory_space<vmem>>, vector<16xi32>,
    %add3A_417 = arith.constant 0 : i32
    %add3A_418 = vector.broadcast %add3A_417 : i32 to vector<16xi32>
    %add3A_419 = arith.addi %iota3A, %add3A_418 : vector<16xi32>
    tpu.vector_store_idx %arg5[%add3A_419, %get3A_416], %broadcast_in_dim3A_5 : memref<32x1000xf32, #tpu.memory_space<vmem>>[vector<16xi32>, vector<16xi32>], vector<16xf32>,
    %get3A_420 = arith.constant 464 : index
    %get3A_421 = tpu.vector_load %arg4[%get3A_420] {strides = array<i32>} : memref<512xi32, #tpu.memory_space<vmem>>, vector<16xi32>,
    %add3A_422 = arith.constant 16 : i32
    %add3A_423 = vector.broadcast %add3A_422 : i32 to vector<16xi32>
    %add3A_424 = arith.addi %iota3A, %add3A_423 : vector<16xi32>
    tpu.vector_store_idx %arg5[%add3A_424, %get3A_421], %broadcast_in_dim3A_5 : memref<32x1000xf32, #tpu.memory_space<vmem>>[vector<16xi32>, vector<16xi32>], vector<16xf32>,
    %add3A_425 = arith.constant 448 : i32
    %add3A_426 = arith.addi %mul3A_2, %add3A_425 : i32
    %dma_start3A_427 = arith.constant 0 : i32
    %dma_start3A_428 = tpu.memref_slice %arg3[%add3A_426, %dma_start3A_427] : memref<16384x1000xf32, #tpu.memory_space<hbm>> -> memref<32x1000xf32, #tpu.memory_space<hbm>>
    %dma_start3A_429 = arith.constant 0 : i32
    %dma_start3A_430 = tpu.memref_slice %arg3[%add3A_426, %dma_start3A_429] : memref<16384x1000xf32, #tpu.memory_space<hbm>> -> memref<32x1000xf32, #tpu.memory_space<hbm>>
    tpu.enqueue_dma source(%arg5 : memref<32x1000xf32, #tpu.memory_space<vmem>>) target(%dma_start3A_430 : memref<32x1000xf32, #tpu.memory_space<hbm>>) target_semaphore(%arg7 : memref<!tpu.dma_semaphore, #tpu.memory_space<semaphore_mem>>)
    %dma_wait3A_431 = arith.constant 0 : i32
    %dma_wait3A_432 = tpu.memref_slice %arg3[%add3A_396, %dma_wait3A_431] : memref<16384x1000xf32, #tpu.memory_space<hbm>> -> memref<32x1000xf32, #tpu.memory_space<hbm>>
    %dma_wait3A_433 = arith.constant 0 : i32
    %dma_wait3A_434 = tpu.memref_slice %arg3[%add3A_396, %dma_wait3A_433] : memref<16384x1000xf32, #tpu.memory_space<hbm>> -> memref<32x1000xf32, #tpu.memory_space<hbm>>
    tpu.wait_dma2 semaphore(%arg8 : memref<!tpu.dma_semaphore, #tpu.memory_space<semaphore_mem>>) src(%arg6 : memref<32x1000xf32, #tpu.memory_space<vmem>>) dst(%dma_wait3A_434 : memref<32x1000xf32, #tpu.memory_space<hbm>>)
    %get3A_435 = arith.constant 416 : index
    %get3A_436 = tpu.vector_load %arg4[%get3A_435] {strides = array<i32>} : memref<512xi32, #tpu.memory_space<vmem>>, vector<16xi32>,
    %add3A_437 = arith.constant 0 : i32
    %add3A_438 = vector.broadcast %add3A_437 : i32 to vector<16xi32>
    %add3A_439 = arith.addi %iota3A, %add3A_438 : vector<16xi32>
    tpu.vector_store_idx %arg6[%add3A_439, %get3A_436], %broadcast_in_dim3A_3 : memref<32x1000xf32, #tpu.memory_space<vmem>>[vector<16xi32>, vector<16xi32>], vector<16xf32>,
    %get3A_440 = arith.constant 432 : index
    %get3A_441 = tpu.vector_load %arg4[%get3A_440] {strides = array<i32>} : memref<512xi32, #tpu.memory_space<vmem>>, vector<16xi32>,
    %add3A_442 = arith.constant 16 : i32
    %add3A_443 = vector.broadcast %add3A_442 : i32 to vector<16xi32>
    %add3A_444 = arith.addi %iota3A, %add3A_443 : vector<16xi32>
    tpu.vector_store_idx %arg6[%add3A_444, %get3A_441], %broadcast_in_dim3A_3 : memref<32x1000xf32, #tpu.memory_space<vmem>>[vector<16xi32>, vector<16xi32>], vector<16xf32>,
    %get3A_445 = arith.constant 480 : index
    %get3A_446 = tpu.vector_load %arg4[%get3A_445] {strides = array<i32>} : memref<512xi32, #tpu.memory_space<vmem>>, vector<16xi32>,
    %add3A_447 = arith.constant 0 : i32
    %add3A_448 = vector.broadcast %add3A_447 : i32 to vector<16xi32>
    %add3A_449 = arith.addi %iota3A, %add3A_448 : vector<16xi32>
    tpu.vector_store_idx %arg6[%add3A_449, %get3A_446], %broadcast_in_dim3A_5 : memref<32x1000xf32, #tpu.memory_space<vmem>>[vector<16xi32>, vector<16xi32>], vector<16xf32>,
    %get3A_450 = arith.constant 496 : index
    %get3A_451 = tpu.vector_load %arg4[%get3A_450] {strides = array<i32>} : memref<512xi32, #tpu.memory_space<vmem>>, vector<16xi32>,
    %add3A_452 = arith.constant 16 : i32
    %add3A_453 = vector.broadcast %add3A_452 : i32 to vector<16xi32>
    %add3A_454 = arith.addi %iota3A, %add3A_453 : vector<16xi32>
    tpu.vector_store_idx %arg6[%add3A_454, %get3A_451], %broadcast_in_dim3A_5 : memref<32x1000xf32, #tpu.memory_space<vmem>>[vector<16xi32>, vector<16xi32>], vector<16xf32>,
    %add3A_455 = arith.constant 480 : i32
    %add3A_456 = arith.addi %mul3A_2, %add3A_455 : i32
    %dma_start3A_457 = arith.constant 0 : i32
    %dma_start3A_458 = tpu.memref_slice %arg3[%add3A_456, %dma_start3A_457] : memref<16384x1000xf32, #tpu.memory_space<hbm>> -> memref<32x1000xf32, #tpu.memory_space<hbm>>
    %dma_start3A_459 = arith.constant 0 : i32
    %dma_start3A_460 = tpu.memref_slice %arg3[%add3A_456, %dma_start3A_459] : memref<16384x1000xf32, #tpu.memory_space<hbm>> -> memref<32x1000xf32, #tpu.memory_space<hbm>>
    tpu.enqueue_dma source(%arg6 : memref<32x1000xf32, #tpu.memory_space<vmem>>) target(%dma_start3A_460 : memref<32x1000xf32, #tpu.memory_space<hbm>>) target_semaphore(%arg8 : memref<!tpu.dma_semaphore, #tpu.memory_space<semaphore_mem>>)
    %dma_wait3A_461 = arith.constant 0 : i32
    %dma_wait3A_462 = tpu.memref_slice %arg3[%add3A_426, %dma_wait3A_461] : memref<16384x1000xf32, #tpu.memory_space<hbm>> -> memref<32x1000xf32, #tpu.memory_space<hbm>>
    %dma_wait3A_463 = arith.constant 0 : i32
    %dma_wait3A_464 = tpu.memref_slice %arg3[%add3A_426, %dma_wait3A_463] : memref<16384x1000xf32, #tpu.memory_space<hbm>> -> memref<32x1000xf32, #tpu.memory_space<hbm>>
    tpu.wait_dma2 semaphore(%arg7 : memref<!tpu.dma_semaphore, #tpu.memory_space<semaphore_mem>>) src(%arg5 : memref<32x1000xf32, #tpu.memory_space<vmem>>) dst(%dma_wait3A_464 : memref<32x1000xf32, #tpu.memory_space<hbm>>)
    %dma_wait3A_465 = arith.constant 0 : i32
    %dma_wait3A_466 = tpu.memref_slice %arg3[%add3A_456, %dma_wait3A_465] : memref<16384x1000xf32, #tpu.memory_space<hbm>> -> memref<32x1000xf32, #tpu.memory_space<hbm>>
    %dma_wait3A_467 = arith.constant 0 : i32
    %dma_wait3A_468 = tpu.memref_slice %arg3[%add3A_456, %dma_wait3A_467] : memref<16384x1000xf32, #tpu.memory_space<hbm>> -> memref<32x1000xf32, #tpu.memory_space<hbm>>
    tpu.wait_dma2 semaphore(%arg8 : memref<!tpu.dma_semaphore, #tpu.memory_space<semaphore_mem>>) src(%arg6 : memref<32x1000xf32, #tpu.memory_space<vmem>>) dst(%dma_wait3A_468 : memref<32x1000xf32, #tpu.memory_space<hbm>>)
    return
  }
}

</mosaic_0001>

<sc_bundles>
// kernel: kernel.3.cloned.1.call-start
scs
__scs_entry_jumppad:
0x0: {  	(pc) =	sbr.rel $0x88, $3  }
0x1: {  	(tag) =	ssettag $0x0;
	lr =	simm.s32 $0x1  }
0x2: {  	[smem:$0x3FA0] =	sst lr;
	_ =	strace $0xD0000000  }
0x3: {  	_ = 	snop  }
0x4: {  	_ = 	snop  }
0x5: {  	_ = 	snop  }
0x6: {  	_ = 	snop  }
0x7: {  	_ = 	snop  }
__scs_overlays_trampoline_lowered:
0x8: {  	[smem:$0x3FAF] =	sst s0  }
0x9: {  	[smem:$0x3FB0] =	sst s1  }
0xa: {  	[smem:$0x3FB1] =	sst s2  }
0xb: {  	[smem:$0x3FB2] =	sst s3  }
0xc: {  	[smem:$0x3FB3] =	sst s4  }
0xd: {  	[smem:$0x3FB4] =	sst s5  }
0xe: {  	[smem:$0x3FB5] =	sst s6  }
0xf: {  	[smem:$0x3FB6] =	sst s7  }
0x10: {  	[smem:$0x3FB7] =	sst s8  }
0x11: {  	[smem:$0x3FB8] =	sst s9;
	s0 =	simm.s32 @!p0 $0x0  }
0x12: {  	s1 =	sld [smem:$0x3F9E];
	s0 =	simm.s32 @p0 $0x1  }
0x13: {  	[smem:$0x3FB9] =	sst s0;
	s0 =	simm.s32 @!p1 $0x0  }
0x14: {  	s2 =	sld [smem:$0x3F9D];
	s0 =	simm.s32 @p1 $0x1  }
0x15: {  	[smem:$0x3FBA] =	sst s0;
	s0 =	simm.s32 @!p2 $0x0  }
0x16: {  	s3 =	sld [smem:$0x3FDB];
	s0 =	simm.s32 @p2 $0x1  }
0x17: {  	s4 =	simm.s32 $0x1BF5;
	[smem:$0x3FBC] =	sst s0  }
0x18: {  	s0 =	sld [smem:$0x3F9F];
	_ =	swait.ge [sflag:s4], $0x0  }
0x19: {  	s7 =	sld [smem:$0x3FA0]  }
0x1a: {  	s8 =	sadd.s32 $0xFFFFE003, lr  }
0x1b: {  	s9 =	sadd.s32 $0xFFFFFEF7, lr;
	s5 =	simm.s32 $0xFFFFFFFF;
	p2 =	slt.u32 s8, $0xFFFFF086  }
0x1c: {  	p1 =	slt.u32 s9, $0xF7A;
	s5 =	simm.s32 @!p2 $0x0  }
0x1d: {  	s5 =	simm.s32 @p1 $0x1;
	p0 =	seq.s32 s7, s2  }
0x1e: {  	s7 =	smul.u32 @!p0 $0xF7A, s2;
	p2 =	seq.s32 @!p0 s5, $0x0  }
0x1f: {  	s9 =	smul.u32 $0xF7A, s1;
	s8 =	simm.s32 @!p0 $0x1BF5;
	p2 =	por !p2, p0  }
0x20: {  	[sflag:s8] =	ssyncset.s32 @!p0 $0xFFFFF086;
	s6 =	sadd.s32 @!p0 s3, s7;
	s7 =	simm.s32 @!p0 $0x108  }
0x21: {  	s3 =	sadd.s32 s3, s9;
	s6 =	sadd.s32 @!p0 $0x88, s6;
	s7 =	simm.s32 @p2 $0x1082  }
0x22: {  	[simem:s7], [sflag:s8] =	dma.local @!p0 [hbm:s6], $0xF7A  }
0x23: {  	s9 =	sor.u32 $0xD0000000, s2;
	s6 =	simm.s32 $0x108;
	_ =	swait.ge @!p0 [sflag:s8], $0x0  }
0x24: {  	s3 =	sadd.s32 $0x88, s3;
	s6 =	simm.s32 @!p1 $0x1082;
	[sflag:s4] =	ssyncset.s32 $0xFFFFF086  }
0x25: {  	[simem:s6], [sflag:s4] =	dma.local [hbm:s3], $0xF7A  }
0x26: {  	[smem:$0x3FA0] =	sst s1;
	(tag) =	ssettag s2;
	_ =	strace s9  }
0x27: {  	s1 =	sld [smem:$0x3FB0]  }
0x28: {  	s2 =	sld [smem:$0x3FB1]  }
0x29: {  	s4 =	sld [smem:$0x3FB3]  }
0x2a: {  	p0 =	seq.s32 s5, $0x0;
	s5 =	sld [smem:$0x3FB4]  }
0x2b: {  	s6 =	sld [smem:$0x3FB5]  }
0x2c: {  	s7 =	sld [smem:$0x3FB6]  }
0x2d: {  	s3 =	simm.s32 $0x108;
	s8 =	sld [smem:$0x3FB7]  }
0x2e: {  	s3 =	simm.s32 @!p0 $0x1082;
	s9 =	sld [smem:$0x3FB8]  }
0x2f: {  	lr =	sadd.s32 s0, s3;
	s0 =	sld [smem:$0x3FAF]  }
0x30: {  	s3 =	sld [smem:$0x3FB2]  }
0x31: {  	[smem:$0x3FBB] =	sst s10  }
0x32: {  	s10 =	sld [smem:$0x3FB9];
	_ =	sdelay $0x3  }
0x33: {  	p0 =	seq.s32 s10, $0x1;
	s10 =	sld [smem:$0x3FBB];
	_ =	sdelay $0x3  }
0x34: {  	[smem:$0x3FBB] =	sst s10  }
0x35: {  	s10 =	sld [smem:$0x3FBA];
	_ =	sdelay $0x3  }
0x36: {  	p1 =	seq.s32 s10, $0x1;
	s10 =	sld [smem:$0x3FBB];
	_ =	sdelay $0x3  }
0x37: {  	[smem:$0x3FBB] =	sst s10  }
0x38: {  	s10 =	sld [smem:$0x3FBC]  }
0x39: {  	_ = 	snop;
	(pc) =	sbr.ind lr, $3  }
0x3a: {  	_ = 	snop  }
0x3b: {  	_ = 	snop  }
0x3c: {  	p2 =	seq.s32 s10, $0x1;
	s10 =	sld [smem:$0x3FBB]  }
0x3d: {  	_ =	shalt  }
0x3e: {  	_ =	shalt  }
0x3f: {  	_ =	shalt  }
0x40: {  	_ =	shalt  }
0x41: {  	_ =	shalt  }
0x42: {  	_ =	shalt  }
0x43: {  	_ =	shalt  }
0x44: {  	_ =	shalt  }
0x45: {  	_ =	shalt  }
0x46: {  	_ =	shalt  }
0x47: {  	_ =	shalt  }
0x48: {  	_ =	shalt  }
0x49: {  	_ =	shalt  }
0x4a: {  	_ =	shalt  }
0x4b: {  	_ =	shalt  }
0x4c: {  	_ =	shalt  }
0x4d: {  	_ =	shalt  }
0x4e: {  	_ =	shalt  }
0x4f: {  	_ =	shalt  }
0x50: {  	_ =	shalt  }
0x51: {  	_ =	shalt  }
0x52: {  	_ =	shalt  }
0x53: {  	_ =	shalt  }
0x54: {  	_ =	shalt  }
0x55: {  	_ =	shalt  }
0x56: {  	_ =	shalt  }
0x57: {  	_ =	shalt  }
0x58: {  	_ =	shalt  }
0x59: {  	_ =	shalt  }
0x5a: {  	_ =	shalt  }
0x5b: {  	_ =	shalt  }
0x5c: {  	_ =	shalt  }
0x5d: {  	_ =	shalt  }
0x5e: {  	_ =	shalt  }
0x5f: {  	_ =	shalt  }
0x60: {  	_ =	shalt  }
0x61: {  	_ =	shalt  }
0x62: {  	_ =	shalt  }
0x63: {  	_ =	shalt  }
0x64: {  	_ =	shalt  }
0x65: {  	_ =	shalt  }
0x66: {  	_ =	shalt  }
0x67: {  	_ =	shalt  }
0x68: {  	_ =	shalt  }
0x69: {  	_ =	shalt  }
0x6a: {  	_ =	shalt  }
0x6b: {  	_ =	shalt  }
0x6c: {  	_ =	shalt  }
0x6d: {  	_ =	shalt  }
0x6e: {  	_ =	shalt  }
0x6f: {  	_ =	shalt  }
0x70: {  	_ =	shalt  }
0x71: {  	_ =	shalt  }
0x72: {  	_ =	shalt  }
0x73: {  	_ =	shalt  }
0x74: {  	_ =	shalt  }
0x75: {  	_ =	shalt  }
0x76: {  	_ =	shalt  }
0x77: {  	_ =	shalt  }
0x78: {  	_ =	shalt  }
0x79: {  	_ =	shalt  }
0x7a: {  	_ =	shalt  }
0x7b: {  	_ =	shalt  }
0x7c: {  	_ =	shalt  }
0x7d: {  	_ =	shalt  }
0x7e: {  	_ =	shalt  }
0x7f: {  	_ =	shalt  }
0x80: {  	_ =	shalt  }
0x81: {  	_ =	shalt  }
0x82: {  	_ =	shalt  }
0x83: {  	_ =	shalt  }
0x84: {  	_ =	shalt  }
0x85: {  	_ =	shalt  }
0x86: {  	_ =	shalt  }
0x87: {  	_ =	shalt  }
.Lfunc_end0:
.L_simem_size_0:
called_computation_lowered:
.L_overlay_start_0:
0x88: {  	s2 =	sld [smem:$0x3FD9]  }
0x89: {  	s3 =	sld [smem:$0x3FFE];
	_ =	sdelay $0x1  }
0x8a: {  	s1 =	srdreg.scid  }
0x8b: {  	s0 =	sand.u32 $0x1, s1  }
0x8c: {  	s17 =	sshll.u32 s0, $0xA;
	s2 =	sadd.s32 s3, s2  }
0x8d: {  	s2 =	sadd.s32 s2, s17  }
0x8e: {  	[smem:$0x3FC7] =	sst s2  }
0x8f: {  	_ = 	snop  }
0x90: {  	s2 =	sld [smem:$0x3FC9];
	(tm) =	ssettm $0x1  }
0x91: {  	s18 =	sld [smem:$0x3FFB];
	_ =	sdelay $0x3  }
0x92: {  	_ =	strace s18  }
0x93: {  	s3 =	sld [smem:$0x3FFC];
	_ =	sdelay $0x3  }
0x94: {  	_ =	strace s3  }
0x95: {  	s3 =	sld [smem:$0x3FFD];
	_ =	sdelay $0x3  }
0x96: {  	_ =	strace s3  }
0x97: {  	_ =	strace $0x8FFFFFFF  }
0x98: {  	s19 =	sld [smem:$0x3FDB];
	_ =	sdelay $0x1  }
0x99: {  	s4 =	simm.s32 $_scs_section_size  }
0x9a: {  	s5 =	simm.s32 $_size__tile_overlayer_lowered;
	s6 =	simm.s32 $_tile_overlayer_lowered  }
0x9b: {  	s22 =	simm.s32 $0x1BFF;
	s21 =	sshll.u32 s6, $0x1;
	s3 =	sadd.s32 s4, s19  }
0x9c: {  	s7 =	simm.s32 $0x0;
	s20 =	sshll.u32 s5, $0x1;
	s5 =	sadd.s32 s21, s3  }
0x9d: {  	[timem:s7], [sflag:s22] =	dma.local [hbm:s5], s20  }
0x9e: {  	_ =	swait.ge [sflag:s22], s20  }
0x9f: {  	s4 =	ssub.s32 $0x0, s20;
	[sflag:s22] =	ssyncset.done $0x0  }
0xa0: {  	[sflag:s22] =	ssyncadd.s32 s4;
	_ =	sdelay $0x1  }
0xa1: {  	s23 =	simm.s32 $0x1B8B  }
0xa2: {  	_ =	swait.ge [sflag:s23], $0x1  }
0xa3: {  	[sflag:s23] =	ssyncset.done $0x0  }
0xa4: {  	s25 =	simm.s32 $0x1B8E;
	s24 =	sld [smem:$0x3FFE];
	[sflag:s23] =	ssyncadd.s32 $0xFFFFFFFF  }
0xa5: {  	s26 =	simm.s32 $execute0_lowered;
	[smem:$0x3FD2] =	sst s25  }
0xa6: {  	s5 =	sshll.u32 s26, $0x1;
	_ =	strace $0x80000046;
	[dreg:$0x1] =	wrdreg $0xFFFFFFFF  }
0xa7: {  	s28 =	simm.s32 $_size_execute0_lowered;
	s3 =	sadd.s32 s3, s5;
	[dreg:$0x0] =	wrdreg $0x0  }
0xa8: {  	s5 =	sshll.u32 s28, $0x1;
	[dreg:$0x2] =	wrdreg s3  }
0xa9: {  	[dreg:$0x3] =	wrdreg s5  }
0xaa: {  	[dreg:$0x4] =	wrdreg $0xC0  }
0xab: {  	_ =	task [dreg:s7], $0x5FFFF  }
0xac: {  	[dreg:$0x1] =	wrdreg $0xFFFFFFFF  }
0xad: {  	[dreg:$0x0] =	wrdreg $0x60  }
0xae: {  	[dreg:$0x2] =	wrdreg s2  }
0xaf: {  	[dreg:$0x3] =	wrdreg s24  }
0xb0: {  	[dreg:$0x4] =	wrdreg $0x9  }
0xb1: {  	_ =	task.clear_ibuf [dreg:s7], $0x5FFFF;
	_ =	strace $0x90000046  }
0xb2: {  	s29 =	simm.s32 $0x9;
	_ =	strace $0x80000048  }
0xb3: {  	_ =	swait.ge [sflag:s29], $0x1  }
0xb4: {  	[sflag:s29] =	ssyncadd.s32 $0xFFFFFFFF  }
0xb5: {  	_ =	strace $0x90000048  }
0xb6: {  	_ =	sfence  }
0xb7: {  	s30 =	sld [smem:$0x0];
	_ =	sdelay $0x2  }
0xb8: {  	s31 =	sshll.u32 s1, $0xD;
	s1 =	sshrl.u32 s1, $0x2  }
0xb9: {  	s3 =	sand.u32 $0x4000, s31;
	s1 =	sadd.s32 s1, s30  }
0xba: {  	s0 =	sor.u32 s3, s0;
	s1 =	sshll.u32 s1, $0x11  }
0xbb: {  	s0 =	sor.u32 s1, s0  }
0xbc: {  	s0 =	sadd.s32 $0x8F2B, s0  }
0xbd: {  	[sflag:s0] =	ssyncadd.remote.s32 $0x1  }
0xbe: {  	_ =	sfence.sel $0xFFFF  }
0xbf: {  	[dreg:$0x0] =	wrdreg $0xFFFFFFFF;
	(pc) =	sbr.abs _section_cstart, $3  }
0xc0: {  	[dreg:$0x1] =	wrdreg $0xFFFFFFFF  }
0xc1: {  	_ =	task.clear_ibuf [dreg:s7], $0x2FFFF;
	_ =	strace $0x9FFFFFFF  }
0xc2: {  	(tm) =	ssettm $0x7FFFFFFF  }
0xc3: {  	_ =	shalt  }
tec
execute0_lowered:
.L_overlay_start_1:
0x0: {  	(tag) =	ssettag $0x1  }
0x1: {  	v0 =	vimm.f32 $9.999999740e-05  }
0x2: {  	v1 =	vimm.s32 $0x2380;
	vm0 =	vcmask $0x300;
	v2 =	vimm.s32 $0x6380  }
0x3: {  	s0 =	rddreg [dreg:$0x0];
	vm1 =	vcmask $0x704;
	v1 =	vsel vm0, $0x0, v1;
	v2 =	vsel vm0, $0x4000, v2  }
0x4: {  	s3 =	rddreg [dreg:$0x1];
	vm15 =	vcmask $0xB08;
	v1 =	vsel vm1, $0x80, v1;
	v2 =	vsel vm1, $0x4080, v2  }
0x5: {  	s2 =	srdreg.scid;
	s1 =	stileid.u32;
	vm4 =	vcmask $0xF0C;
	s21 =	simm.s32 $0x3;
	v1 =	vsel vm15, $0x100, v1;
	v2 =	vsel vm15, $0x4100, v2  }
0x6: {  	vm5 =	vcmask $0x1310;
	s22 =	simm.s32 $0x200;
	s23 =	simm.s32 $0x8200;
	s24 =	simm.s32 $0x1;
	v1 =	vsel vm4, $0x180, v1;
	v2 =	vsel vm4, $0x4180, v2  }
0x7: {  	vm6 =	vcmask $0x1714;
	s25 =	simm.s32 $0x2;
	s26 =	simm.s32 $0x0;
	s4 =	sand.u32 $0x1, s2;
	v1 =	vsel vm5, $0x200, v1;
	v2 =	vsel vm5, $0x4200, v2  }
0x8: {  	vm7 =	vcmask $0x1B18;
	s2 =	simm.s32 $0x0;
	s5 =	sshll.u32 s1, $0xA;
	s6 =	sshll.u32 s4, $0x9;
	v1 =	vsel vm6, $0x280, v1;
	v2 =	vsel vm6, $0x4280, v2  }
0x9: {  	vm8 =	vcmask $0x1F1C;
	[smem:$0x7FF] =	sst s2;
	s4 =	ssub.s32 $0x2, s4;
	s5 =	sor.u32 s6, s5;
	v1 =	vsel vm7, $0x300, v1;
	v2 =	vsel vm7, $0x4300, v2  }
0xa: {  	vm9 =	vcmask $0x2320;
	_ =	strace $0x80000047;
	s7 =	sshrl.u32 s4, $0x1;
	s6 =	sshll.u32 s5, $0x7;
	v1 =	vsel vm8, $0x380, v1;
	v2 =	vsel vm8, $0x4380, v2  }
0xb: {  	vm10 =	vcmask $0x2724;
	s20 =	ssub.s32 s4, s7;
	s31 =	sshrl.u32 s5, $0x3;
	s19 =	sadd.s32 s6, s3;
	v1 =	vsel vm9, $0x2000, v1;
	v2 =	vsel vm9, $0x6000, v2  }
0xc: {  	vm11 =	vcmask $0x2B28;
	s3 =	sadd.s32 s0, s31;
	s4 =	sadd.s32 $0x400, s19;
	s5 =	sadd.s32 $0x1400, s19;
	v1 =	vsel vm10, $0x2080, v1;
	v2 =	vsel vm10, $0x6080, v2  }
0xd: {  	vm12 =	vcmask $0x2F2C;
	s6 =	sadd.s32 $0x2400, s19;
	s7 =	sadd.s32 $0x3400, s19;
	s8 =	sadd.s32 $0x4400, s19;
	v1 =	vsel vm11, $0x2100, v1;
	v2 =	vsel vm11, $0x6100, v2  }
0xe: {  	vm13 =	vcmask $0x3330;
	s9 =	sadd.s32 $0x5400, s19;
	s10 =	sadd.s32 $0x6400, s19;
	s11 =	sadd.s32 $0x7400, s19;
	v1 =	vsel vm12, $0x2180, v1;
	v2 =	vsel vm12, $0x6180, v2  }
0xf: {  	vm14 =	vcmask $0x3734;
	s12 =	sadd.s32 $0x8400, s19;
	s13 =	sadd.s32 $0x9400, s19;
	s14 =	sadd.s32 $0xA400, s19;
	v1 =	vsel vm13, $0x2200, v1;
	v2 =	vsel vm13, $0x6200, v2  }
0x10: {  	vm15 =	vcmask $0x3B38;
	s15 =	sadd.s32 $0xB400, s19;
	s16 =	sadd.s32 $0xC400, s19;
	s17 =	sadd.s32 $0xD400, s19;
	v1 =	vsel vm14, $0x2280, v1;
	v3 =	vsel vm14, $0x6280, v2  }
0x11: {  	s20 =	smax.u32 s20, $0x1;
	s18 =	sadd.s32 $0xE400, s19;
	s19 =	sadd.s32 $0xF400, s19;
	v2 =	vimm.f32 $9.000999930e-01;
	v1 =	vsel vm15, $0x2300, v1;
	v3 =	vsel vm15, $0x6300, v3  }
.LBB2_1:
0x12: {  	[tilespmem:s2], [sflag:$0x3] =	stream.linear.gather [hbm4b:s3+s2], $0x200, $0x38;
	[tilespmem:$0x10200] =	vst v63  }
0x13: {  	_ =	swait.ge [sflag:s21], $0x200  }
0x14: {  	s28 =	simm.s32 $0xFFFF8000;
	s29 =	simm.s32 $0x0;
	[sflag:s21] =	ssyncset.done $0x0  }
0x15: {  	s30 =	simm.s32 $0x0;
	s31 =	simm.s32 $0x0;
	[sflag:s21] =	ssyncadd.s32 $0xFFFFFE00  }
.LBB2_2:
0x16: {  	s0 =	sadd.s32 $0x8000, s28  }
0x17: {  	s1 =	sand.u32 $0x380, s31;
	s0 =	sand.u32 $0x6000, s0  }
0x18: {  	s0 =	sor.u32 s1, s0  }
0x19: {  	[tilespmem:s0+$0x200] =	vst v0  }
0x1a: {  	[tilespmem:s0+$0x8200] =	vst v0  }
0x1b: {  	[tilespmem:s0+$0x210] =	vst v0  }
0x1c: {  	[tilespmem:s0+$0x8210] =	vst v0  }
0x1d: {  	[tilespmem:s0+$0x220] =	vst v0  }
0x1e: {  	[tilespmem:s0+$0x8220] =	vst v0  }
0x1f: {  	[tilespmem:s0+$0x230] =	vst v0  }
0x20: {  	[tilespmem:s0+$0x8230] =	vst v0  }
0x21: {  	[tilespmem:s0+$0x240] =	vst v0  }
0x22: {  	[tilespmem:s0+$0x8240] =	vst v0  }
0x23: {  	[tilespmem:s0+$0x250] =	vst v0  }
0x24: {  	[tilespmem:s0+$0x8250] =	vst v0  }
0x25: {  	[tilespmem:s0+$0x260] =	vst v0  }
0x26: {  	[tilespmem:s0+$0x8260] =	vst v0  }
0x27: {  	[tilespmem:s0+$0x270] =	vst v0  }
0x28: {  	[tilespmem:s0+$0x8270] =	vst v0  }
0x29: {  	[tilespmem:s0+$0x600] =	vst v0  }
0x2a: {  	[tilespmem:s0+$0x8600] =	vst v0  }
0x2b: {  	[tilespmem:s0+$0x610] =	vst v0  }
0x2c: {  	[tilespmem:s0+$0x8610] =	vst v0  }
0x2d: {  	[tilespmem:s0+$0x620] =	vst v0  }
0x2e: {  	[tilespmem:s0+$0x8620] =	vst v0  }
0x2f: {  	[tilespmem:s0+$0x630] =	vst v0  }
0x30: {  	[tilespmem:s0+$0x8630] =	vst v0  }
0x31: {  	[tilespmem:s0+$0x640] =	vst v0  }
0x32: {  	[tilespmem:s0+$0x8640] =	vst v0  }
0x33: {  	[tilespmem:s0+$0x650] =	vst v0  }
0x34: {  	[tilespmem:s0+$0x8650] =	vst v0  }
0x35: {  	[tilespmem:s0+$0x660] =	vst v0  }
0x36: {  	[tilespmem:s0+$0x8660] =	vst v0  }
0x37: {  	[tilespmem:s0+$0x670] =	vst v0  }
0x38: {  	[tilespmem:s0+$0x8670] =	vst v0  }
0x39: {  	[tilespmem:s0+$0xA00] =	vst v0  }
0x3a: {  	[tilespmem:s0+$0x8A00] =	vst v0  }
0x3b: {  	[tilespmem:s0+$0xA10] =	vst v0  }
0x3c: {  	[tilespmem:s0+$0x8A10] =	vst v0  }
0x3d: {  	[tilespmem:s0+$0xA20] =	vst v0  }
0x3e: {  	[tilespmem:s0+$0x8A20] =	vst v0  }
0x3f: {  	[tilespmem:s0+$0xA30] =	vst v0  }
0x40: {  	[tilespmem:s0+$0x8A30] =	vst v0  }
0x41: {  	[tilespmem:s0+$0xA40] =	vst v0  }
0x42: {  	[tilespmem:s0+$0x8A40] =	vst v0  }
0x43: {  	[tilespmem:s0+$0xA50] =	vst v0  }
0x44: {  	[tilespmem:s0+$0x8A50] =	vst v0  }
0x45: {  	[tilespmem:s0+$0xA60] =	vst v0  }
0x46: {  	[tilespmem:s0+$0x8A60] =	vst v0  }
0x47: {  	[tilespmem:s0+$0xA70] =	vst v0  }
0x48: {  	[tilespmem:s0+$0x8A70] =	vst v0  }
0x49: {  	[tilespmem:s0+$0xE00] =	vst v0  }
0x4a: {  	[tilespmem:s0+$0x8E00] =	vst v0  }
0x4b: {  	[tilespmem:s0+$0xE10] =	vst v0  }
0x4c: {  	[tilespmem:s0+$0x8E10] =	vst v0  }
0x4d: {  	[tilespmem:s0+$0xE20] =	vst v0  }
0x4e: {  	[tilespmem:s0+$0x8E20] =	vst v0  }
0x4f: {  	[tilespmem:s0+$0xE30] =	vst v0  }
0x50: {  	[tilespmem:s0+$0x8E30] =	vst v0  }
0x51: {  	[tilespmem:s0+$0xE40] =	vst v0  }
0x52: {  	[tilespmem:s0+$0x8E40] =	vst v0  }
0x53: {  	[tilespmem:s0+$0xE50] =	vst v0  }
0x54: {  	[tilespmem:s0+$0x8E50] =	vst v0  }
0x55: {  	[tilespmem:s0+$0xE60] =	vst v0  }
0x56: {  	[tilespmem:s0+$0x8E60] =	vst v0  }
0x57: {  	[tilespmem:s0+$0xE70] =	vst v0  }
0x58: {  	[tilespmem:s0+$0x8E70] =	vst v0  }
0x59: {  	[tilespmem:s0+$0x1200] =	vst v0  }
0x5a: {  	[tilespmem:s0+$0x9200] =	vst v0  }
0x5b: {  	[tilespmem:s0+$0x1210] =	vst v0  }
0x5c: {  	[tilespmem:s0+$0x9210] =	vst v0  }
0x5d: {  	[tilespmem:s0+$0x1220] =	vst v0  }
0x5e: {  	[tilespmem:s0+$0x9220] =	vst v0  }
0x5f: {  	[tilespmem:s0+$0x1230] =	vst v0  }
0x60: {  	[tilespmem:s0+$0x9230] =	vst v0  }
0x61: {  	[tilespmem:s0+$0x1240] =	vst v0  }
0x62: {  	[tilespmem:s0+$0x9240] =	vst v0  }
0x63: {  	[tilespmem:s0+$0x1250] =	vst v0  }
0x64: {  	[tilespmem:s0+$0x9250] =	vst v0  }
0x65: {  	[tilespmem:s0+$0x1260] =	vst v0  }
0x66: {  	[tilespmem:s0+$0x9260] =	vst v0  }
0x67: {  	[tilespmem:s0+$0x1270] =	vst v0  }
0x68: {  	[tilespmem:s0+$0x9270] =	vst v0  }
0x69: {  	[tilespmem:s0+$0x1600] =	vst v0  }
0x6a: {  	[tilespmem:s0+$0x9600] =	vst v0  }
0x6b: {  	[tilespmem:s0+$0x1610] =	vst v0  }
0x6c: {  	[tilespmem:s0+$0x9610] =	vst v0  }
0x6d: {  	[tilespmem:s0+$0x1620] =	vst v0  }
0x6e: {  	[tilespmem:s0+$0x9620] =	vst v0  }
0x6f: {  	[tilespmem:s0+$0x1630] =	vst v0  }
0x70: {  	[tilespmem:s0+$0x9630] =	vst v0  }
0x71: {  	[tilespmem:s0+$0x1640] =	vst v0  }
0x72: {  	[tilespmem:s0+$0x9640] =	vst v0  }
0x73: {  	[tilespmem:s0+$0x1650] =	vst v0  }
0x74: {  	[tilespmem:s0+$0x9650] =	vst v0  }
0x75: {  	[tilespmem:s0+$0x1660] =	vst v0  }
0x76: {  	[tilespmem:s0+$0x9660] =	vst v0  }
0x77: {  	[tilespmem:s0+$0x1670] =	vst v0  }
0x78: {  	[tilespmem:s0+$0x9670] =	vst v0  }
0x79: {  	[tilespmem:s0+$0x1A00] =	vst v0  }
0x7a: {  	[tilespmem:s0+$0x9A00] =	vst v0  }
0x7b: {  	[tilespmem:s0+$0x1A10] =	vst v0  }
0x7c: {  	[tilespmem:s0+$0x9A10] =	vst v0  }
0x7d: {  	[tilespmem:s0+$0x1A20] =	vst v0  }
0x7e: {  	[tilespmem:s0+$0x9A20] =	vst v0  }
0x7f: {  	[tilespmem:s0+$0x1A30] =	vst v0  }
0x80: {  	[tilespmem:s0+$0x9A30] =	vst v0  }
0x81: {  	[tilespmem:s0+$0x1A40] =	vst v0  }
0x82: {  	[tilespmem:s0+$0x9A40] =	vst v0  }
0x83: {  	[tilespmem:s0+$0x1A50] =	vst v0  }
0x84: {  	[tilespmem:s0+$0x9A50] =	vst v0  }
0x85: {  	s1 =	sand.u32 $0x7, s29;
	[tilespmem:s0+$0x1A60] =	vst v0  }
0x86: {  	s1 =	sshll.u32 s1, $0x7;
	[tilespmem:s0+$0x9A60] =	vst v0  }
0x87: {  	[tilespmem:s0+$0x1A70] =	vst v0;
	s1 =	sadd.s32 s1, s30  }
0x88: {  	[tilespmem:s0+$0x9A70] =	vst v0;
	s0 =	sor.u32 $0x1C00, s1  }
0x89: {  	[tilespmem:s0+$0x200] =	vst v0  }
0x8a: {  	[tilespmem:s0+$0x8200] =	vst v0;
	s0 =	sor.u32 $0x1C10, s1  }
0x8b: {  	[tilespmem:s0+$0x200] =	vst v0  }
0x8c: {  	[tilespmem:s0+$0x8200] =	vst v0;
	s0 =	sor.u32 $0x1C20, s1  }
0x8d: {  	[tilespmem:s0+$0x200] =	vst v0  }
0x8e: {  	[tilespmem:s0+$0x8200] =	vst v0;
	s0 =	sor.u32 $0x1C30, s1  }
0x8f: {  	[tilespmem:s0+$0x200] =	vst v0  }
0x90: {  	[tilespmem:s0+$0x8200] =	vst v0;
	s0 =	sor.u32 $0x1C40, s1  }
0x91: {  	p0 =	sne.s32 s31, $0xF80;
	[tilespmem:s0+$0x200] =	vst v0  }
.Ltmp0:
0x92: {  	[tilespmem:s0+$0x8200] =	vst v0;
	s0 =	sor.u32 $0x1C50, s1;
	(pc) =	sbr.rel @p0 .LBB2_2-.Ltmp0, $4  }
0x93: {  	[tilespmem:s0+$0x200] =	vst v0  }
0x94: {  	s1 =	sor.u32 $0x1C58, s1;
	[tilespmem:s0+$0x8200] =	vst v0  }
0x95: {  	s28 =	sadd.s32 $0x400, s28;
	[tilespmem:s1+$0x200] =	vst v0  }
0x96: {  	s31 =	sadd.s32 $0x80, s31;
	s29 =	sadd.s32 $0x1, s29;
	s30 =	sadd.s32 $0x400, s30;
	[tilespmem:s1+$0x8200] =	vst v0  }
0x97: {  	v4 =	vld [tilespmem:$0x0];
	_ =	sdelay $0x4  }
0x98: {  	v5 =	vshll.u32 v4, $0x3  }
0x99: {  	v4 =	vand.u32 $0x7F, v4;
	v5 =	vand.u32 $0xFFFFFC00, v5  }
0x9a: {  	v4 =	vor.u32 v4, v5  }
0x9b: {  	v4 =	vadd.s32 v1, v4;
	_ =	sdelay $0x4  }
0x9c: {  	[tilespmem:v4+s22+$0x0] =	vst.idx.msk $0xffff, v2  }
0x9d: {  	v4 =	vld [tilespmem:$0x10];
	_ =	sdelay $0x4  }
0x9e: {  	v5 =	vshll.u32 v4, $0x3  }
0x9f: {  	v4 =	vand.u32 $0x7F, v4;
	v5 =	vand.u32 $0xFFFFFC00, v5  }
0xa0: {  	v4 =	vor.u32 v4, v5  }
0xa1: {  	v4 =	vadd.s32 v3, v4;
	_ =	sdelay $0x4  }
0xa2: {  	[tilespmem:v4+s22+$0x0] =	vst.idx.msk $0xffff, v2  }
0xa3: {  	[hbm4b:s4+s2] =	stream.linear.scatter [tilespmem:s22], [sflag:$0x1], $0x8000, $0x38;
	[tilespmem:$0x10200] =	vst v63  }
0xa4: {  	v4 =	vld [tilespmem:$0x20];
	_ =	sdelay $0x4  }
0xa5: {  	v5 =	vshll.u32 v4, $0x3  }
0xa6: {  	v4 =	vand.u32 $0x7F, v4;
	v5 =	vand.u32 $0xFFFFFC00, v5  }
0xa7: {  	v4 =	vor.u32 v4, v5  }
0xa8: {  	v4 =	vadd.s32 v1, v4;
	_ =	sdelay $0x4  }
0xa9: {  	[tilespmem:v4+s23+$0x0] =	vst.idx.msk $0xffff, v2  }
0xaa: {  	v4 =	vld [tilespmem:$0x30];
	_ =	sdelay $0x4  }
0xab: {  	v5 =	vshll.u32 v4, $0x3  }
0xac: {  	v4 =	vand.u32 $0x7F, v4;
	v5 =	vand.u32 $0xFFFFFC00, v5  }
0xad: {  	v4 =	vor.u32 v4, v5  }
0xae: {  	v4 =	vadd.s32 v3, v4;
	_ =	sdelay $0x4  }
0xaf: {  	[tilespmem:v4+s23+$0x0] =	vst.idx.msk $0xffff, v2  }
0xb0: {  	[hbm4b:s5+s2] =	stream.linear.scatter [tilespmem:s23], [sflag:$0x2], $0x8000, $0x38;
	[tilespmem:$0x10200] =	vst v63  }
0xb1: {  	_ =	swait.ge [sflag:s24], $0x8000  }
0xb2: {  	[sflag:s24] =	ssyncset.done $0x0  }
0xb3: {  	[sflag:s24] =	ssyncadd.s32 $0xFFFF8000  }
0xb4: {  	v4 =	vld [tilespmem:$0x0];
	_ =	sdelay $0x4  }
0xb5: {  	v5 =	vshll.u32 v4, $0x3  }
0xb6: {  	v4 =	vand.u32 $0x7F, v4;
	v5 =	vand.u32 $0xFFFFFC00, v5  }
0xb7: {  	v4 =	vor.u32 v4, v5  }
0xb8: {  	v4 =	vadd.s32 v1, v4;
	_ =	sdelay $0x4  }
0xb9: {  	[tilespmem:v4+s22+$0x0] =	vst.idx.msk $0xffff, v0  }
0xba: {  	v4 =	vld [tilespmem:$0x10];
	_ =	sdelay $0x4  }
0xbb: {  	v5 =	vshll.u32 v4, $0x3  }
0xbc: {  	v4 =	vand.u32 $0x7F, v4;
	v5 =	vand.u32 $0xFFFFFC00, v5  }
0xbd: {  	v4 =	vor.u32 v4, v5  }
0xbe: {  	v4 =	vadd.s32 v3, v4;
	_ =	sdelay $0x4  }
0xbf: {  	[tilespmem:v4+s22+$0x0] =	vst.idx.msk $0xffff, v0  }
0xc0: {  	v4 =	vld [tilespmem:$0x40];
	_ =	sdelay $0x4  }
0xc1: {  	v5 =	vshll.u32 v4, $0x3  }
0xc2: {  	v4 =	vand.u32 $0x7F, v4;
	v5 =	vand.u32 $0xFFFFFC00, v5  }
0xc3: {  	v4 =	vor.u32 v4, v5  }
0xc4: {  	v4 =	vadd.s32 v1, v4;
	_ =	sdelay $0x4  }
0xc5: {  	[tilespmem:v4+s22+$0x0] =	vst.idx.msk $0xffff, v2  }
0xc6: {  	v4 =	vld [tilespmem:$0x50];
	_ =	sdelay $0x4  }
0xc7: {  	v5 =	vshll.u32 v4, $0x3  }
0xc8: {  	v4 =	vand.u32 $0x7F, v4;
	v5 =	vand.u32 $0xFFFFFC00, v5  }
0xc9: {  	v4 =	vor.u32 v4, v5  }
0xca: {  	v4 =	vadd.s32 v3, v4;
	_ =	sdelay $0x4  }
0xcb: {  	[tilespmem:v4+s22+$0x0] =	vst.idx.msk $0xffff, v2  }
0xcc: {  	[hbm4b:s6+s2] =	stream.linear.scatter [tilespmem:s22], [sflag:$0x1], $0x8000, $0x38;
	[tilespmem:$0x10200] =	vst v63  }
0xcd: {  	_ =	swait.ge [sflag:s25], $0x8000  }
0xce: {  	[sflag:s25] =	ssyncset.done $0x0  }
0xcf: {  	[sflag:s25] =	ssyncadd.s32 $0xFFFF8000  }
0xd0: {  	v4 =	vld [tilespmem:$0x20];
	_ =	sdelay $0x4  }
0xd1: {  	v5 =	vshll.u32 v4, $0x3  }
0xd2: {  	v4 =	vand.u32 $0x7F, v4;
	v5 =	vand.u32 $0xFFFFFC00, v5  }
0xd3: {  	v4 =	vor.u32 v4, v5  }
0xd4: {  	v4 =	vadd.s32 v1, v4;
	_ =	sdelay $0x4  }
0xd5: {  	[tilespmem:v4+s23+$0x0] =	vst.idx.msk $0xffff, v0  }
0xd6: {  	v4 =	vld [tilespmem:$0x30];
	_ =	sdelay $0x4  }
0xd7: {  	v5 =	vshll.u32 v4, $0x3  }
0xd8: {  	v4 =	vand.u32 $0x7F, v4;
	v5 =	vand.u32 $0xFFFFFC00, v5  }
0xd9: {  	v4 =	vor.u32 v4, v5  }
0xda: {  	v4 =	vadd.s32 v3, v4;
	_ =	sdelay $0x4  }
0xdb: {  	[tilespmem:v4+s23+$0x0] =	vst.idx.msk $0xffff, v0  }
0xdc: {  	v4 =	vld [tilespmem:$0x60];
	_ =	sdelay $0x4  }
0xdd: {  	v5 =	vshll.u32 v4, $0x3  }
0xde: {  	v4 =	vand.u32 $0x7F, v4;
	v5 =	vand.u32 $0xFFFFFC00, v5  }
0xdf: {  	v4 =	vor.u32 v4, v5  }
0xe0: {  	v4 =	vadd.s32 v1, v4;
	_ =	sdelay $0x4  }
0xe1: {  	[tilespmem:v4+s23+$0x0] =	vst.idx.msk $0xffff, v2  }
0xe2: {  	v4 =	vld [tilespmem:$0x70];
	_ =	sdelay $0x4  }
0xe3: {  	v5 =	vshll.u32 v4, $0x3  }
0xe4: {  	v4 =	vand.u32 $0x7F, v4;
	v5 =	vand.u32 $0xFFFFFC00, v5  }
0xe5: {  	v4 =	vor.u32 v4, v5  }
0xe6: {  	v4 =	vadd.s32 v3, v4;
	_ =	sdelay $0x4  }
0xe7: {  	[tilespmem:v4+s23+$0x0] =	vst.idx.msk $0xffff, v2  }
0xe8: {  	[hbm4b:s7+s2] =	stream.linear.scatter [tilespmem:s23], [sflag:$0x2], $0x8000, $0x38;
	[tilespmem:$0x10200] =	vst v63  }
0xe9: {  	_ =	swait.ge [sflag:s24], $0x8000  }
0xea: {  	[sflag:s24] =	ssyncset.done $0x0  }
0xeb: {  	[sflag:s24] =	ssyncadd.s32 $0xFFFF8000  }
0xec: {  	v4 =	vld [tilespmem:$0x40];
	_ =	sdelay $0x4  }
0xed: {  	v5 =	vshll.u32 v4, $0x3  }
0xee: {  	v4 =	vand.u32 $0x7F, v4;
	v5 =	vand.u32 $0xFFFFFC00, v5  }
0xef: {  	v4 =	vor.u32 v4, v5  }
0xf0: {  	v4 =	vadd.s32 v1, v4;
	_ =	sdelay $0x4  }
0xf1: {  	[tilespmem:v4+s22+$0x0] =	vst.idx.msk $0xffff, v0  }
0xf2: {  	v4 =	vld [tilespmem:$0x50];
	_ =	sdelay $0x4  }
0xf3: {  	v5 =	vshll.u32 v4, $0x3  }
0xf4: {  	v4 =	vand.u32 $0x7F, v4;
	v5 =	vand.u32 $0xFFFFFC00, v5  }
0xf5: {  	v4 =	vor.u32 v4, v5  }
0xf6: {  	v4 =	vadd.s32 v3, v4;
	_ =	sdelay $0x4  }
0xf7: {  	[tilespmem:v4+s22+$0x0] =	vst.idx.msk $0xffff, v0  }
0xf8: {  	v4 =	vld [tilespmem:$0x80];
	_ =	sdelay $0x4  }
0xf9: {  	v5 =	vshll.u32 v4, $0x3  }
0xfa: {  	v4 =	vand.u32 $0x7F, v4;
	v5 =	vand.u32 $0xFFFFFC00, v5  }
0xfb: {  	v4 =	vor.u32 v4, v5  }
0xfc: {  	v4 =	vadd.s32 v1, v4;
	_ =	sdelay $0x4  }
0xfd: {  	[tilespmem:v4+s22+$0x0] =	vst.idx.msk $0xffff, v2  }
0xfe: {  	v4 =	vld [tilespmem:$0x90];
	_ =	sdelay $0x4  }
0xff: {  	v5 =	vshll.u32 v4, $0x3  }
0x100: {  	v4 =	vand.u32 $0x7F, v4;
	v5 =	vand.u32 $0xFFFFFC00, v5  }
0x101: {  	v4 =	vor.u32 v4, v5  }
0x102: {  	v4 =	vadd.s32 v3, v4;
	_ =	sdelay $0x4  }
0x103: {  	[tilespmem:v4+s22+$0x0] =	vst.idx.msk $0xffff, v2  }
0x104: {  	[hbm4b:s8+s2] =	stream.linear.scatter [tilespmem:s22], [sflag:$0x1], $0x8000, $0x38;
	[tilespmem:$0x10200] =	vst v63  }
0x105: {  	_ =	swait.ge [sflag:s25], $0x8000  }
0x106: {  	[sflag:s25] =	ssyncset.done $0x0  }
0x107: {  	[sflag:s25] =	ssyncadd.s32 $0xFFFF8000  }
0x108: {  	v4 =	vld [tilespmem:$0x60];
	_ =	sdelay $0x4  }
0x109: {  	v5 =	vshll.u32 v4, $0x3  }
0x10a: {  	v4 =	vand.u32 $0x7F, v4;
	v5 =	vand.u32 $0xFFFFFC00, v5  }
0x10b: {  	v4 =	vor.u32 v4, v5  }
0x10c: {  	v4 =	vadd.s32 v1, v4;
	_ =	sdelay $0x4  }
0x10d: {  	[tilespmem:v4+s23+$0x0] =	vst.idx.msk $0xffff, v0  }
0x10e: {  	v4 =	vld [tilespmem:$0x70];
	_ =	sdelay $0x4  }
0x10f: {  	v5 =	vshll.u32 v4, $0x3  }
0x110: {  	v4 =	vand.u32 $0x7F, v4;
	v5 =	vand.u32 $0xFFFFFC00, v5  }
0x111: {  	v4 =	vor.u32 v4, v5  }
0x112: {  	v4 =	vadd.s32 v3, v4;
	_ =	sdelay $0x4  }
0x113: {  	[tilespmem:v4+s23+$0x0] =	vst.idx.msk $0xffff, v0  }
0x114: {  	v4 =	vld [tilespmem:$0xA0];
	_ =	sdelay $0x4  }
0x115: {  	v5 =	vshll.u32 v4, $0x3  }
0x116: {  	v4 =	vand.u32 $0x7F, v4;
	v5 =	vand.u32 $0xFFFFFC00, v5  }
0x117: {  	v4 =	vor.u32 v4, v5  }
0x118: {  	v4 =	vadd.s32 v1, v4;
	_ =	sdelay $0x4  }
0x119: {  	[tilespmem:v4+s23+$0x0] =	vst.idx.msk $0xffff, v2  }
0x11a: {  	v4 =	vld [tilespmem:$0xB0];
	_ =	sdelay $0x4  }
0x11b: {  	v5 =	vshll.u32 v4, $0x3  }
0x11c: {  	v4 =	vand.u32 $0x7F, v4;
	v5 =	vand.u32 $0xFFFFFC00, v5  }
0x11d: {  	v4 =	vor.u32 v4, v5  }
0x11e: {  	v4 =	vadd.s32 v3, v4;
	_ =	sdelay $0x4  }
0x11f: {  	[tilespmem:v4+s23+$0x0] =	vst.idx.msk $0xffff, v2  }
0x120: {  	[hbm4b:s9+s2] =	stream.linear.scatter [tilespmem:s23], [sflag:$0x2], $0x8000, $0x38;
	[tilespmem:$0x10200] =	vst v63  }
0x121: {  	_ =	swait.ge [sflag:s24], $0x8000  }
0x122: {  	[sflag:s24] =	ssyncset.done $0x0  }
0x123: {  	[sflag:s24] =	ssyncadd.s32 $0xFFFF8000  }
0x124: {  	v4 =	vld [tilespmem:$0x80];
	_ =	sdelay $0x4  }
0x125: {  	v5 =	vshll.u32 v4, $0x3  }
0x126: {  	v4 =	vand.u32 $0x7F, v4;
	v5 =	vand.u32 $0xFFFFFC00, v5  }
0x127: {  	v4 =	vor.u32 v4, v5  }
0x128: {  	v4 =	vadd.s32 v1, v4;
	_ =	sdelay $0x4  }
0x129: {  	[tilespmem:v4+s22+$0x0] =	vst.idx.msk $0xffff, v0  }
0x12a: {  	v4 =	vld [tilespmem:$0x90];
	_ =	sdelay $0x4  }
0x12b: {  	v5 =	vshll.u32 v4, $0x3  }
0x12c: {  	v4 =	vand.u32 $0x7F, v4;
	v5 =	vand.u32 $0xFFFFFC00, v5  }
0x12d: {  	v4 =	vor.u32 v4, v5  }
0x12e: {  	v4 =	vadd.s32 v3, v4;
	_ =	sdelay $0x4  }
0x12f: {  	[tilespmem:v4+s22+$0x0] =	vst.idx.msk $0xffff, v0  }
0x130: {  	v4 =	vld [tilespmem:$0xC0];
	_ =	sdelay $0x4  }
0x131: {  	v5 =	vshll.u32 v4, $0x3  }
0x132: {  	v4 =	vand.u32 $0x7F, v4;
	v5 =	vand.u32 $0xFFFFFC00, v5  }
0x133: {  	v4 =	vor.u32 v4, v5  }
0x134: {  	v4 =	vadd.s32 v1, v4;
	_ =	sdelay $0x4  }
0x135: {  	[tilespmem:v4+s22+$0x0] =	vst.idx.msk $0xffff, v2  }
0x136: {  	v4 =	vld [tilespmem:$0xD0];
	_ =	sdelay $0x4  }
0x137: {  	v5 =	vshll.u32 v4, $0x3  }
0x138: {  	v4 =	vand.u32 $0x7F, v4;
	v5 =	vand.u32 $0xFFFFFC00, v5  }
0x139: {  	v4 =	vor.u32 v4, v5  }
0x13a: {  	v4 =	vadd.s32 v3, v4;
	_ =	sdelay $0x4  }
0x13b: {  	[tilespmem:v4+s22+$0x0] =	vst.idx.msk $0xffff, v2  }
0x13c: {  	[hbm4b:s10+s2] =	stream.linear.scatter [tilespmem:s22], [sflag:$0x1], $0x8000, $0x38;
	[tilespmem:$0x10200] =	vst v63  }
0x13d: {  	_ =	swait.ge [sflag:s25], $0x8000  }
0x13e: {  	[sflag:s25] =	ssyncset.done $0x0  }
0x13f: {  	[sflag:s25] =	ssyncadd.s32 $0xFFFF8000  }
0x140: {  	v4 =	vld [tilespmem:$0xA0];
	_ =	sdelay $0x4  }
0x141: {  	v5 =	vshll.u32 v4, $0x3  }
0x142: {  	v4 =	vand.u32 $0x7F, v4;
	v5 =	vand.u32 $0xFFFFFC00, v5  }
0x143: {  	v4 =	vor.u32 v4, v5  }
0x144: {  	v4 =	vadd.s32 v1, v4;
	_ =	sdelay $0x4  }
0x145: {  	[tilespmem:v4+s23+$0x0] =	vst.idx.msk $0xffff, v0  }
0x146: {  	v4 =	vld [tilespmem:$0xB0];
	_ =	sdelay $0x4  }
0x147: {  	v5 =	vshll.u32 v4, $0x3  }
0x148: {  	v4 =	vand.u32 $0x7F, v4;
	v5 =	vand.u32 $0xFFFFFC00, v5  }
0x149: {  	v4 =	vor.u32 v4, v5  }
0x14a: {  	v4 =	vadd.s32 v3, v4;
	_ =	sdelay $0x4  }
0x14b: {  	[tilespmem:v4+s23+$0x0] =	vst.idx.msk $0xffff, v0  }
0x14c: {  	v4 =	vld [tilespmem:$0xE0];
	_ =	sdelay $0x4  }
0x14d: {  	v5 =	vshll.u32 v4, $0x3  }
0x14e: {  	v4 =	vand.u32 $0x7F, v4;
	v5 =	vand.u32 $0xFFFFFC00, v5  }
0x14f: {  	v4 =	vor.u32 v4, v5  }
0x150: {  	v4 =	vadd.s32 v1, v4;
	_ =	sdelay $0x4  }
0x151: {  	[tilespmem:v4+s23+$0x0] =	vst.idx.msk $0xffff, v2  }
0x152: {  	v4 =	vld [tilespmem:$0xF0];
	_ =	sdelay $0x4  }
0x153: {  	v5 =	vshll.u32 v4, $0x3  }
0x154: {  	v4 =	vand.u32 $0x7F, v4;
	v5 =	vand.u32 $0xFFFFFC00, v5  }
0x155: {  	v4 =	vor.u32 v4, v5  }
0x156: {  	v4 =	vadd.s32 v3, v4;
	_ =	sdelay $0x4  }
0x157: {  	[tilespmem:v4+s23+$0x0] =	vst.idx.msk $0xffff, v2  }
0x158: {  	[hbm4b:s11+s2] =	stream.linear.scatter [tilespmem:s23], [sflag:$0x2], $0x8000, $0x38;
	[tilespmem:$0x10200] =	vst v63  }
0x159: {  	_ =	swait.ge [sflag:s24], $0x8000  }
0x15a: {  	[sflag:s24] =	ssyncset.done $0x0  }
0x15b: {  	[sflag:s24] =	ssyncadd.s32 $0xFFFF8000  }
0x15c: {  	v4 =	vld [tilespmem:$0xC0];
	_ =	sdelay $0x4  }
0x15d: {  	v5 =	vshll.u32 v4, $0x3  }
0x15e: {  	v4 =	vand.u32 $0x7F, v4;
	v5 =	vand.u32 $0xFFFFFC00, v5  }
0x15f: {  	v4 =	vor.u32 v4, v5  }
0x160: {  	v4 =	vadd.s32 v1, v4;
	_ =	sdelay $0x4  }
0x161: {  	[tilespmem:v4+s22+$0x0] =	vst.idx.msk $0xffff, v0  }
0x162: {  	v4 =	vld [tilespmem:$0xD0];
	_ =	sdelay $0x4  }
0x163: {  	v5 =	vshll.u32 v4, $0x3  }
0x164: {  	v4 =	vand.u32 $0x7F, v4;
	v5 =	vand.u32 $0xFFFFFC00, v5  }
0x165: {  	v4 =	vor.u32 v4, v5  }
0x166: {  	v4 =	vadd.s32 v3, v4;
	_ =	sdelay $0x4  }
0x167: {  	[tilespmem:v4+s22+$0x0] =	vst.idx.msk $0xffff, v0  }
0x168: {  	v4 =	vld [tilespmem:$0x100];
	_ =	sdelay $0x4  }
0x169: {  	v5 =	vshll.u32 v4, $0x3  }
0x16a: {  	v4 =	vand.u32 $0x7F, v4;
	v5 =	vand.u32 $0xFFFFFC00, v5  }
0x16b: {  	v4 =	vor.u32 v4, v5  }
0x16c: {  	v4 =	vadd.s32 v1, v4;
	_ =	sdelay $0x4  }
0x16d: {  	[tilespmem:v4+s22+$0x0] =	vst.idx.msk $0xffff, v2  }
0x16e: {  	v4 =	vld [tilespmem:$0x110];
	_ =	sdelay $0x4  }
0x16f: {  	v5 =	vshll.u32 v4, $0x3  }
0x170: {  	v4 =	vand.u32 $0x7F, v4;
	v5 =	vand.u32 $0xFFFFFC00, v5  }
0x171: {  	v4 =	vor.u32 v4, v5  }
0x172: {  	v4 =	vadd.s32 v3, v4;
	_ =	sdelay $0x4  }
0x173: {  	[tilespmem:v4+s22+$0x0] =	vst.idx.msk $0xffff, v2  }
0x174: {  	[hbm4b:s12+s2] =	stream.linear.scatter [tilespmem:s22], [sflag:$0x1], $0x8000, $0x38;
	[tilespmem:$0x10200] =	vst v63  }
0x175: {  	_ =	swait.ge [sflag:s25], $0x8000  }
0x176: {  	[sflag:s25] =	ssyncset.done $0x0  }
0x177: {  	[sflag:s25] =	ssyncadd.s32 $0xFFFF8000  }
0x178: {  	v4 =	vld [tilespmem:$0xE0];
	_ =	sdelay $0x4  }
0x179: {  	v5 =	vshll.u32 v4, $0x3  }
0x17a: {  	v4 =	vand.u32 $0x7F, v4;
	v5 =	vand.u32 $0xFFFFFC00, v5  }
0x17b: {  	v4 =	vor.u32 v4, v5  }
0x17c: {  	v4 =	vadd.s32 v1, v4;
	_ =	sdelay $0x4  }
0x17d: {  	[tilespmem:v4+s23+$0x0] =	vst.idx.msk $0xffff, v0  }
0x17e: {  	v4 =	vld [tilespmem:$0xF0];
	_ =	sdelay $0x4  }
0x17f: {  	v5 =	vshll.u32 v4, $0x3  }
0x180: {  	v4 =	vand.u32 $0x7F, v4;
	v5 =	vand.u32 $0xFFFFFC00, v5  }
0x181: {  	v4 =	vor.u32 v4, v5  }
0x182: {  	v4 =	vadd.s32 v3, v4;
	_ =	sdelay $0x4  }
0x183: {  	[tilespmem:v4+s23+$0x0] =	vst.idx.msk $0xffff, v0  }
0x184: {  	v4 =	vld [tilespmem:$0x120];
	_ =	sdelay $0x4  }
0x185: {  	v5 =	vshll.u32 v4, $0x3  }
0x186: {  	v4 =	vand.u32 $0x7F, v4;
	v5 =	vand.u32 $0xFFFFFC00, v5  }
0x187: {  	v4 =	vor.u32 v4, v5  }
0x188: {  	v4 =	vadd.s32 v1, v4;
	_ =	sdelay $0x4  }
0x189: {  	[tilespmem:v4+s23+$0x0] =	vst.idx.msk $0xffff, v2  }
0x18a: {  	v4 =	vld [tilespmem:$0x130];
	_ =	sdelay $0x4  }
0x18b: {  	v5 =	vshll.u32 v4, $0x3  }
0x18c: {  	v4 =	vand.u32 $0x7F, v4;
	v5 =	vand.u32 $0xFFFFFC00, v5  }
0x18d: {  	v4 =	vor.u32 v4, v5  }
0x18e: {  	v4 =	vadd.s32 v3, v4;
	_ =	sdelay $0x4  }
0x18f: {  	[tilespmem:v4+s23+$0x0] =	vst.idx.msk $0xffff, v2  }
0x190: {  	[hbm4b:s13+s2] =	stream.linear.scatter [tilespmem:s23], [sflag:$0x2], $0x8000, $0x38;
	[tilespmem:$0x10200] =	vst v63  }
0x191: {  	_ =	swait.ge [sflag:s24], $0x8000  }
0x192: {  	[sflag:s24] =	ssyncset.done $0x0  }
0x193: {  	[sflag:s24] =	ssyncadd.s32 $0xFFFF8000  }
0x194: {  	v4 =	vld [tilespmem:$0x100];
	_ =	sdelay $0x4  }
0x195: {  	v5 =	vshll.u32 v4, $0x3  }
0x196: {  	v4 =	vand.u32 $0x7F, v4;
	v5 =	vand.u32 $0xFFFFFC00, v5  }
0x197: {  	v4 =	vor.u32 v4, v5  }
0x198: {  	v4 =	vadd.s32 v1, v4;
	_ =	sdelay $0x4  }
0x199: {  	[tilespmem:v4+s22+$0x0] =	vst.idx.msk $0xffff, v0  }
0x19a: {  	v4 =	vld [tilespmem:$0x110];
	_ =	sdelay $0x4  }
0x19b: {  	v5 =	vshll.u32 v4, $0x3  }
0x19c: {  	v4 =	vand.u32 $0x7F, v4;
	v5 =	vand.u32 $0xFFFFFC00, v5  }
0x19d: {  	v4 =	vor.u32 v4, v5  }
0x19e: {  	v4 =	vadd.s32 v3, v4;
	_ =	sdelay $0x4  }
0x19f: {  	[tilespmem:v4+s22+$0x0] =	vst.idx.msk $0xffff, v0  }
0x1a0: {  	v4 =	vld [tilespmem:$0x140];
	_ =	sdelay $0x4  }
0x1a1: {  	v5 =	vshll.u32 v4, $0x3  }
0x1a2: {  	v4 =	vand.u32 $0x7F, v4;
	v5 =	vand.u32 $0xFFFFFC00, v5  }
0x1a3: {  	v4 =	vor.u32 v4, v5  }
0x1a4: {  	v4 =	vadd.s32 v1, v4;
	_ =	sdelay $0x4  }
0x1a5: {  	[tilespmem:v4+s22+$0x0] =	vst.idx.msk $0xffff, v2  }
0x1a6: {  	v4 =	vld [tilespmem:$0x150];
	_ =	sdelay $0x4  }
0x1a7: {  	v5 =	vshll.u32 v4, $0x3  }
0x1a8: {  	v4 =	vand.u32 $0x7F, v4;
	v5 =	vand.u32 $0xFFFFFC00, v5  }
0x1a9: {  	v4 =	vor.u32 v4, v5  }
0x1aa: {  	v4 =	vadd.s32 v3, v4;
	_ =	sdelay $0x4  }
0x1ab: {  	[tilespmem:v4+s22+$0x0] =	vst.idx.msk $0xffff, v2  }
0x1ac: {  	[hbm4b:s14+s2] =	stream.linear.scatter [tilespmem:s22], [sflag:$0x1], $0x8000, $0x38;
	[tilespmem:$0x10200] =	vst v63  }
0x1ad: {  	_ =	swait.ge [sflag:s25], $0x8000  }
0x1ae: {  	[sflag:s25] =	ssyncset.done $0x0  }
0x1af: {  	[sflag:s25] =	ssyncadd.s32 $0xFFFF8000  }
0x1b0: {  	v4 =	vld [tilespmem:$0x120];
	_ =	sdelay $0x4  }
0x1b1: {  	v5 =	vshll.u32 v4, $0x3  }
0x1b2: {  	v4 =	vand.u32 $0x7F, v4;
	v5 =	vand.u32 $0xFFFFFC00, v5  }
0x1b3: {  	v4 =	vor.u32 v4, v5  }
0x1b4: {  	v4 =	vadd.s32 v1, v4;
	_ =	sdelay $0x4  }
0x1b5: {  	[tilespmem:v4+s23+$0x0] =	vst.idx.msk $0xffff, v0  }
0x1b6: {  	v4 =	vld [tilespmem:$0x130];
	_ =	sdelay $0x4  }
0x1b7: {  	v5 =	vshll.u32 v4, $0x3  }
0x1b8: {  	v4 =	vand.u32 $0x7F, v4;
	v5 =	vand.u32 $0xFFFFFC00, v5  }
0x1b9: {  	v4 =	vor.u32 v4, v5  }
0x1ba: {  	v4 =	vadd.s32 v3, v4;
	_ =	sdelay $0x4  }
0x1bb: {  	[tilespmem:v4+s23+$0x0] =	vst.idx.msk $0xffff, v0  }
0x1bc: {  	v4 =	vld [tilespmem:$0x160];
	_ =	sdelay $0x4  }
0x1bd: {  	v5 =	vshll.u32 v4, $0x3  }
0x1be: {  	v4 =	vand.u32 $0x7F, v4;
	v5 =	vand.u32 $0xFFFFFC00, v5  }
0x1bf: {  	v4 =	vor.u32 v4, v5  }
0x1c0: {  	v4 =	vadd.s32 v1, v4;
	_ =	sdelay $0x4  }
0x1c1: {  	[tilespmem:v4+s23+$0x0] =	vst.idx.msk $0xffff, v2  }
0x1c2: {  	v4 =	vld [tilespmem:$0x170];
	_ =	sdelay $0x4  }
0x1c3: {  	v5 =	vshll.u32 v4, $0x3  }
0x1c4: {  	v4 =	vand.u32 $0x7F, v4;
	v5 =	vand.u32 $0xFFFFFC00, v5  }
0x1c5: {  	v4 =	vor.u32 v4, v5  }
0x1c6: {  	v4 =	vadd.s32 v3, v4;
	_ =	sdelay $0x4  }
0x1c7: {  	[tilespmem:v4+s23+$0x0] =	vst.idx.msk $0xffff, v2  }
0x1c8: {  	[hbm4b:s15+s2] =	stream.linear.scatter [tilespmem:s23], [sflag:$0x2], $0x8000, $0x38;
	[tilespmem:$0x10200] =	vst v63  }
0x1c9: {  	_ =	swait.ge [sflag:s24], $0x8000  }
0x1ca: {  	[sflag:s24] =	ssyncset.done $0x0  }
0x1cb: {  	[sflag:s24] =	ssyncadd.s32 $0xFFFF8000  }
0x1cc: {  	v4 =	vld [tilespmem:$0x140];
	_ =	sdelay $0x4  }
0x1cd: {  	v5 =	vshll.u32 v4, $0x3  }
0x1ce: {  	v4 =	vand.u32 $0x7F, v4;
	v5 =	vand.u32 $0xFFFFFC00, v5  }
0x1cf: {  	v4 =	vor.u32 v4, v5  }
0x1d0: {  	v4 =	vadd.s32 v1, v4;
	_ =	sdelay $0x4  }
0x1d1: {  	[tilespmem:v4+s22+$0x0] =	vst.idx.msk $0xffff, v0  }
0x1d2: {  	v4 =	vld [tilespmem:$0x150];
	_ =	sdelay $0x4  }
0x1d3: {  	v5 =	vshll.u32 v4, $0x3  }
0x1d4: {  	v4 =	vand.u32 $0x7F, v4;
	v5 =	vand.u32 $0xFFFFFC00, v5  }
0x1d5: {  	v4 =	vor.u32 v4, v5  }
0x1d6: {  	v4 =	vadd.s32 v3, v4;
	_ =	sdelay $0x4  }
0x1d7: {  	[tilespmem:v4+s22+$0x0] =	vst.idx.msk $0xffff, v0  }
0x1d8: {  	v4 =	vld [tilespmem:$0x180];
	_ =	sdelay $0x4  }
0x1d9: {  	v5 =	vshll.u32 v4, $0x3  }
0x1da: {  	v4 =	vand.u32 $0x7F, v4;
	v5 =	vand.u32 $0xFFFFFC00, v5  }
0x1db: {  	v4 =	vor.u32 v4, v5  }
0x1dc: {  	v4 =	vadd.s32 v1, v4;
	_ =	sdelay $0x4  }
0x1dd: {  	[tilespmem:v4+s22+$0x0] =	vst.idx.msk $0xffff, v2  }
0x1de: {  	v4 =	vld [tilespmem:$0x190];
	_ =	sdelay $0x4  }
0x1df: {  	v5 =	vshll.u32 v4, $0x3  }
0x1e0: {  	v4 =	vand.u32 $0x7F, v4;
	v5 =	vand.u32 $0xFFFFFC00, v5  }
0x1e1: {  	v4 =	vor.u32 v4, v5  }
0x1e2: {  	v4 =	vadd.s32 v3, v4;
	_ =	sdelay $0x4  }
0x1e3: {  	[tilespmem:v4+s22+$0x0] =	vst.idx.msk $0xffff, v2  }
0x1e4: {  	[hbm4b:s16+s2] =	stream.linear.scatter [tilespmem:s22], [sflag:$0x1], $0x8000, $0x38;
	[tilespmem:$0x10200] =	vst v63  }
0x1e5: {  	_ =	swait.ge [sflag:s25], $0x8000  }
0x1e6: {  	[sflag:s25] =	ssyncset.done $0x0  }
0x1e7: {  	[sflag:s25] =	ssyncadd.s32 $0xFFFF8000  }
0x1e8: {  	v4 =	vld [tilespmem:$0x160];
	_ =	sdelay $0x4  }
0x1e9: {  	v5 =	vshll.u32 v4, $0x3  }
0x1ea: {  	v4 =	vand.u32 $0x7F, v4;
	v5 =	vand.u32 $0xFFFFFC00, v5  }
0x1eb: {  	v4 =	vor.u32 v4, v5  }
0x1ec: {  	v4 =	vadd.s32 v1, v4;
	_ =	sdelay $0x4  }
0x1ed: {  	[tilespmem:v4+s23+$0x0] =	vst.idx.msk $0xffff, v0  }
0x1ee: {  	v4 =	vld [tilespmem:$0x170];
	_ =	sdelay $0x4  }
0x1ef: {  	v5 =	vshll.u32 v4, $0x3  }
0x1f0: {  	v4 =	vand.u32 $0x7F, v4;
	v5 =	vand.u32 $0xFFFFFC00, v5  }
0x1f1: {  	v4 =	vor.u32 v4, v5  }
0x1f2: {  	v4 =	vadd.s32 v3, v4;
	_ =	sdelay $0x4  }
0x1f3: {  	[tilespmem:v4+s23+$0x0] =	vst.idx.msk $0xffff, v0  }
0x1f4: {  	v4 =	vld [tilespmem:$0x1A0];
	_ =	sdelay $0x4  }
0x1f5: {  	v5 =	vshll.u32 v4, $0x3  }
0x1f6: {  	v4 =	vand.u32 $0x7F, v4;
	v5 =	vand.u32 $0xFFFFFC00, v5  }
0x1f7: {  	v4 =	vor.u32 v4, v5  }
0x1f8: {  	v4 =	vadd.s32 v1, v4;
	_ =	sdelay $0x4  }
0x1f9: {  	[tilespmem:v4+s23+$0x0] =	vst.idx.msk $0xffff, v2  }
0x1fa: {  	v4 =	vld [tilespmem:$0x1B0];
	_ =	sdelay $0x4  }
0x1fb: {  	v5 =	vshll.u32 v4, $0x3  }
0x1fc: {  	v4 =	vand.u32 $0x7F, v4;
	v5 =	vand.u32 $0xFFFFFC00, v5  }
0x1fd: {  	v4 =	vor.u32 v4, v5  }
0x1fe: {  	v4 =	vadd.s32 v3, v4;
	_ =	sdelay $0x4  }
0x1ff: {  	[tilespmem:v4+s23+$0x0] =	vst.idx.msk $0xffff, v2  }
0x200: {  	[hbm4b:s17+s2] =	stream.linear.scatter [tilespmem:s23], [sflag:$0x2], $0x8000, $0x38;
	[tilespmem:$0x10200] =	vst v63  }
0x201: {  	_ =	swait.ge [sflag:s24], $0x8000  }
0x202: {  	[sflag:s24] =	ssyncset.done $0x0  }
0x203: {  	[sflag:s24] =	ssyncadd.s32 $0xFFFF8000  }
0x204: {  	v4 =	vld [tilespmem:$0x180];
	_ =	sdelay $0x4  }
0x205: {  	v5 =	vshll.u32 v4, $0x3  }
0x206: {  	v4 =	vand.u32 $0x7F, v4;
	v5 =	vand.u32 $0xFFFFFC00, v5  }
0x207: {  	v4 =	vor.u32 v4, v5  }
0x208: {  	v4 =	vadd.s32 v1, v4;
	_ =	sdelay $0x4  }
0x209: {  	[tilespmem:v4+s22+$0x0] =	vst.idx.msk $0xffff, v0  }
0x20a: {  	v4 =	vld [tilespmem:$0x190];
	_ =	sdelay $0x4  }
0x20b: {  	v5 =	vshll.u32 v4, $0x3  }
0x20c: {  	v4 =	vand.u32 $0x7F, v4;
	v5 =	vand.u32 $0xFFFFFC00, v5  }
0x20d: {  	v4 =	vor.u32 v4, v5  }
0x20e: {  	v4 =	vadd.s32 v3, v4;
	_ =	sdelay $0x4  }
0x20f: {  	[tilespmem:v4+s22+$0x0] =	vst.idx.msk $0xffff, v0  }
0x210: {  	v4 =	vld [tilespmem:$0x1C0];
	_ =	sdelay $0x4  }
0x211: {  	v5 =	vshll.u32 v4, $0x3  }
0x212: {  	v4 =	vand.u32 $0x7F, v4;
	v5 =	vand.u32 $0xFFFFFC00, v5  }
0x213: {  	v4 =	vor.u32 v4, v5  }
0x214: {  	v4 =	vadd.s32 v1, v4;
	_ =	sdelay $0x4  }
0x215: {  	[tilespmem:v4+s22+$0x0] =	vst.idx.msk $0xffff, v2  }
0x216: {  	v4 =	vld [tilespmem:$0x1D0];
	_ =	sdelay $0x4  }
0x217: {  	v5 =	vshll.u32 v4, $0x3  }
0x218: {  	v4 =	vand.u32 $0x7F, v4;
	v5 =	vand.u32 $0xFFFFFC00, v5  }
0x219: {  	v4 =	vor.u32 v4, v5  }
0x21a: {  	v4 =	vadd.s32 v3, v4;
	_ =	sdelay $0x4  }
0x21b: {  	[tilespmem:v4+s22+$0x0] =	vst.idx.msk $0xffff, v2  }
0x21c: {  	[hbm4b:s18+s2] =	stream.linear.scatter [tilespmem:s22], [sflag:$0x1], $0x8000, $0x38;
	[tilespmem:$0x10200] =	vst v63  }
0x21d: {  	_ =	swait.ge [sflag:s25], $0x8000  }
0x21e: {  	[sflag:s25] =	ssyncset.done $0x0  }
0x21f: {  	[sflag:s25] =	ssyncadd.s32 $0xFFFF8000  }
0x220: {  	v4 =	vld [tilespmem:$0x1A0];
	_ =	sdelay $0x4  }
0x221: {  	v5 =	vshll.u32 v4, $0x3  }
0x222: {  	v4 =	vand.u32 $0x7F, v4;
	v5 =	vand.u32 $0xFFFFFC00, v5  }
0x223: {  	v4 =	vor.u32 v4, v5  }
0x224: {  	v4 =	vadd.s32 v1, v4;
	_ =	sdelay $0x4  }
0x225: {  	[tilespmem:v4+s23+$0x0] =	vst.idx.msk $0xffff, v0  }
0x226: {  	v4 =	vld [tilespmem:$0x1B0];
	_ =	sdelay $0x4  }
0x227: {  	v5 =	vshll.u32 v4, $0x3  }
0x228: {  	v4 =	vand.u32 $0x7F, v4;
	v5 =	vand.u32 $0xFFFFFC00, v5  }
0x229: {  	v4 =	vor.u32 v4, v5  }
0x22a: {  	v4 =	vadd.s32 v3, v4;
	_ =	sdelay $0x4  }
0x22b: {  	[tilespmem:v4+s23+$0x0] =	vst.idx.msk $0xffff, v0  }
0x22c: {  	v4 =	vld [tilespmem:$0x1E0];
	_ =	sdelay $0x4  }
0x22d: {  	v5 =	vshll.u32 v4, $0x3  }
0x22e: {  	v4 =	vand.u32 $0x7F, v4;
	v5 =	vand.u32 $0xFFFFFC00, v5  }
0x22f: {  	v4 =	vor.u32 v4, v5  }
0x230: {  	v4 =	vadd.s32 v1, v4;
	_ =	sdelay $0x4  }
0x231: {  	[tilespmem:v4+s23+$0x0] =	vst.idx.msk $0xffff, v2  }
0x232: {  	v4 =	vld [tilespmem:$0x1F0];
	_ =	sdelay $0x4  }
0x233: {  	v5 =	vshll.u32 v4, $0x3  }
0x234: {  	v4 =	vand.u32 $0x7F, v4;
	v5 =	vand.u32 $0xFFFFFC00, v5  }
0x235: {  	v4 =	vor.u32 v4, v5  }
0x236: {  	v4 =	vadd.s32 v3, v4;
	_ =	sdelay $0x4  }
0x237: {  	s26 =	sadd.s32 $0x1, s26;
	[tilespmem:v4+s23+$0x0] =	vst.idx.msk $0xffff, v2  }
0x238: {  	[hbm4b:s19+s2] =	stream.linear.scatter [tilespmem:s23], [sflag:$0x2], $0x8000, $0x38;
	[tilespmem:$0x10200] =	vst v63  }
0x239: {  	p0 =	sne.s32 s26, s20;
	_ =	swait.ge [sflag:s24], $0x8000  }
.Ltmp1:
0x23a: {  	[sflag:s24] =	ssyncset.done $0x0;
	(pc) =	sbr.rel @p0 .LBB2_1-.Ltmp1, $4  }
0x23b: {  	[sflag:s24] =	ssyncadd.s32 $0xFFFF8000  }
0x23c: {  	_ =	swait.ge [sflag:s25], $0x8000  }
0x23d: {  	[sflag:s25] =	ssyncset.done $0x0  }
0x23e: {  	[sflag:s25] =	ssyncadd.s32 $0xFFFF8000  }
0x23f: {  	_ =	sfence.sel $0x180000  }
0x240: {  	[bflag:$0x0] =	sbarrier.arrive $0xFFFF  }
0x241: {  	_ =	strace $0x90000047  }
0x242: {  	s0 =	stileid.u32;
	[bflag:$0x2] =	sbarrier.arrive $0xFFFF  }
0x243: {  	p0 =	sne.s32 s0, $0x0;
	s0 =	rddreg [dreg:$0x2]  }
0x244: {  	s0 =	sadd.s32 @!p0 $0x100000, s0  }
0x245: {  	[sflag:s0] =	ssyncadd.tile.s32 @!p0 $0x1;
	_ =	shalt  }
.Lfunc_end2:
_tile_overlayer_lowered:
.L_overlay_start_2:
0x246: {  	(tag) =	ssettag $0x2  }
0x247: {  	s0 =	rddreg [dreg:$0x0];
	s2 =	stileid.u32  }
0x248: {  	s1 =	rddreg [dreg:$0x1];
	p0 =	sne.s32 s2, $0x0  }
0x249: {  	s3 =	rddreg [dreg:$0x2];
	[bflag:$0x3] =	sbarrier.arrive $0xFFFF;
	s2 =	simm.s32 @!p0 $0x1C03  }
0x24a: {  	[timem:s3], [sflag:s2] =	dma.local @!p0 [hbm:s0], s1  }
0x24b: {  	s0 =	simm.s32 @!p0 $0x3  }
0x24c: {  	_ =	swait.ge @!p0 [sflag:s0], s1  }
0x24d: {  	s1 =	ssub.s32 @!p0 $0x0, s1;
	[sflag:s0] =	ssyncset.done @!p0 $0x0  }
0x24e: {  	[sflag:s0] =	ssyncadd.s32 @!p0 s1  }
0x24f: {  	[bflag:$0x3] =	sbarrier.arrive $0xFFFF  }
0x250: {  	_ =	shalt  }

</sc_bundles>
